<compile_context>
chip_gen: v7x
topology: tpu7x:2x2x1
jax: 0.10.2.dev20260603
libtpu: 0.0.44.dev20260713+nightly
codegen_flags: <defaults>
</compile_context>

<pallas_src>
import functools

import jax
import jax.numpy as jnp
from jax import lax
from jax.experimental import pallas as pl
from jax.experimental.pallas import tpu as pltpu
from jax.experimental.pallas import tpu_sc as plsc

_B = 16
_TW = 25
_X = 2048
_TRES = 250
_K = 16
_N = _B * _X
_E = (_B * _X * _K) // 2
_NW = 32
_SLOTS_W = _E // _NW


def _sc_body(x_hbm, ei_hbm, parr, cumbuf, srcbuf, dstbuf, nodearr):
    cid = lax.axis_index("c")
    sid = lax.axis_index("s")
    w = sid * 2 + cid
    iota = lax.iota(jnp.int32, 16)
    inf = jnp.float32(jnp.inf)

    pltpu.sync_copy(x_hbm, parr.at[pl.ds(_K, _X)])
    parr[pl.ds(0, _K)] = jnp.full((16,), -inf, jnp.float32)
    parr[pl.ds(_K + _X, _K)] = jnp.full((16,), inf, jnp.float32)

    def chunk_l(c, carry):
        base = c * 16
        pv = parr[pl.ds(base + _K, 16)]
        acc = jnp.zeros((16,), jnp.int32)
        for l in range(1, _K + 1):
            dl = pv - parr[pl.ds(base + _K - l, 16)]
            dr = parr[pl.ds(base + _K + (_K + 1 - l), 16)] - pv
            acc = acc + jnp.where(dl <= dr, 1, 0).astype(jnp.int32)
        incl = plsc.cumsum(acc)
        cumbuf[pl.ds(base, 16)] = incl - acc + carry
        return carry + jnp.sum(acc)

    s_tot = lax.fori_loop(0, _X // 16, chunk_l, jnp.int32(0))
    cumbuf[pl.ds(_X, 16)] = jnp.full((16,), s_tot, jnp.int32)

    w8 = w * _SLOTS_W

    def chunk_zero(c, _):
        nodearr[pl.ds(c * 16, 16)] = jnp.zeros((16,), jnp.int32)
        return 0

    lax.fori_loop(0, _SLOTS_W // 16, chunk_zero, 0)

    b0 = lax.div(w8, s_tot)
    e0 = jnp.full((16,), w8 - b0 * s_tot, jnp.int32)

    def bs(_, lohi):
        lo, hi = lohi
        mid = lax.div(lo + hi, 2)
        le = plsc.load_gather(cumbuf, [mid]) <= e0
        return jnp.where(le, mid + 1, lo), jnp.where(le, hi, mid)

    lo0, _hi0 = lax.fori_loop(
        0, 11, bs,
        (jnp.zeros((16,), jnp.int32), jnp.full((16,), _X, jnp.int32)))
    key0 = jnp.sum(jnp.where(iota == 0, lo0 - 1, 0)) + b0 * _X

    b_lo = b0
    b_hi = lax.div(w8 + _SLOTS_W - 1, s_tot)
    b_hi = jnp.where(b_hi > _B - 1, _B - 1, b_hi)

    def batch_starts(b, _):
        boff = b * s_tot - w8

        def chunk_starts(c, _2):
            cl = cumbuf[pl.ds(c * 16, 16)]
            lv = cumbuf[pl.ds(c * 16 + 1, 16)] - cl
            p = cl + boff
            m = (p >= 0) & (p < _SLOTS_W) & (lv > 0)
            key = (c * 16 + iota) + b * _X
            plsc.store_scatter(nodearr, [jnp.where(m, p, 0)], key, mask=m)
            return 0

        lax.fori_loop(0, _X // 16, chunk_starts, 0)
        return 0

    lax.fori_loop(b_lo, b_hi + 1, batch_starts, 0)

    def chunk_scan(c8, carry):
        for u in range(8):
            off = c8 * 128 + u * 16
            v = nodearr[pl.ds(off, 16)]
            cm = plsc.cummax(v)
            m = jnp.max(v)
            nodearr[pl.ds(off, 16)] = jnp.maximum(cm, carry)
            carry = jnp.maximum(carry, m)
        return carry

    lax.fori_loop(0, _SLOTS_W // 128, chunk_scan, key0)

    def chunk_slots(c, _):
        g = w8 + c * 16 + iota
        b = lax.div(g, s_tot)
        e = g - b * s_tot
        valid = b < _B
        key = nodearr[pl.ds(c * 16, 16)]
        node = key - b * _X
        ll = e - plsc.load_gather(cumbuf, [node]) + 1
        off = b * _X
        srcbuf[pl.ds(c * 16, 16)] = jnp.where(valid, node - ll + off, 1)
        dstbuf[pl.ds(c * 16, 16)] = jnp.where(valid, node + off, 0)
        return 0

    lax.fori_loop(0, _SLOTS_W // 16, chunk_slots, 0)
    pltpu.sync_copy(srcbuf, ei_hbm.at[pl.ds(w8, _SLOTS_W)])
    pltpu.sync_copy(dstbuf, ei_hbm.at[pl.ds(_E + w8, _SLOTS_W)])


@functools.cache
def _sc_graph():
  return functools.partial(
    pl.kernel,
    out_type=jax.ShapeDtypeStruct((2 * _E,), jnp.int32),
    mesh=plsc.VectorSubcoreMesh(core_axis_name="c", subcore_axis_name="s"),
    compiler_params=pltpu.CompilerParams(needs_layout_passes=False),
    scratch_types=[
        pltpu.VMEM((_X + 2 * _K,), jnp.float32),
        pltpu.VMEM((_X + 16,), jnp.int32),
        pltpu.VMEM((_SLOTS_W,), jnp.int32),
        pltpu.VMEM((_SLOTS_W,), jnp.int32),
        pltpu.VMEM((_SLOTS_W,), jnp.int32),
    ],
  )(_sc_body)


def _tc_body(d_ref, l_ref, u_ref, y_ref):
    u_ref[...] = d_ref[0].T
    y_ref[...] = l_ref[0].T


_tc_transpose = pl.pallas_call(
    _tc_body,
    grid=(_B,),
    in_specs=[
        pl.BlockSpec((1, _TW, _X), lambda b: (b, 0, 0)),
        pl.BlockSpec((1, _TW, _X), lambda b: (b, 0, 0)),
    ],
    out_specs=[
        pl.BlockSpec((_X, _TW), lambda b: (b, 0)),
        pl.BlockSpec((_X, _TW), lambda b: (b, 0)),
    ],
    out_shape=[
        jax.ShapeDtypeStruct((_N, _TW), jnp.float32),
        jax.ShapeDtypeStruct((_N, _TW), jnp.float32),
    ],
)


def kernel(data, labels, x, steps):
    ei_flat = _sc_graph()(x[0])
    u, y = _tc_transpose(data, labels)
    edge_index = ei_flat.reshape(2, _E)
    t_vec = jnp.linspace(0.0, 1.0, _TRES)
    pos = jnp.stack([jnp.repeat(t_vec[steps], _X), jnp.tile(x[0], _B)], axis=1)
    batch_vec = jnp.repeat(jnp.arange(_B), _X)
    edge_attr = jnp.zeros((_E, 1), jnp.float32)
    return (u, edge_index, y, pos, batch_vec, edge_attr)

# --- scband reference (transcript-rebuilt; emitter-appended) ---
"""Pipeline reference for scband-graph-creator-37580963840434 (READ-ONLY COPY).

The authoritative reference and input builder live on the scoring server;
editing this copy changes nothing except your own understanding.
"""

import jax, jax.numpy as jnp
import numpy as np

B = 16
TW = 25
X_RES = 2048
T_RES = 250
N_NEIGH = 16
TMIN = 0.0
TMAX = 1.0


def setup_inputs(seed: int = 0) -> dict:
    key = jax.random.key(seed)
    k1, k2, k3 = jax.random.split(key, 3)
    data = jax.random.normal(k1, (B, TW, X_RES), dtype=jnp.float32)
    labels = jax.random.normal(k2, (B, TW, X_RES), dtype=jnp.float32)
    x = jnp.arange(B * X_RES, dtype=jnp.float32).reshape(B, X_RES)
    steps = jax.random.randint(k3, (B,), 0, T_RES)
    return {"data": data, "labels": labels, "x": x, "steps": steps}


def knn_graph_1d(x_pos, k, nx, nb):
    # Batch-aware kNN on 1-D positions (knn_graph(x_pos, k, batch, loop=False)).
    # Edges are (source=neighbor, target=node), flow source_to_target, global indices.
    pos = x_pos.reshape(nb, nx)

    def per_batch(p):
        d = jnp.abs(p[:, None] - p[None, :])
        d = jnp.where(jnp.eye(nx, dtype=bool), jnp.inf, d)  # loop=False
        _, idx = jax.lax.top_k(-d, k)  # k nearest neighbor local indices [nx, k]
        return idx

    nbr = jax.vmap(per_batch)(pos)  # [nb, nx, k]
    offs = (jnp.arange(nb) * nx)[:, None, None]
    src = (nbr + offs).reshape(-1)
    tgt = (jnp.broadcast_to(jnp.arange(nx)[None, :, None], (nb, nx, k)) + offs).reshape(-1)
    return jnp.stack([src, tgt], axis=0)


def reference(data, labels, x, steps):
    Bv, tw, nx = data.shape
    nt = T_RES
    t_vec = jnp.linspace(TMIN, TMAX, nt)
    # node positions: t of the starting step per batch entry, x coords tiled per batch
    x_pos = jnp.tile(x[0], Bv)
    t_pos = jnp.repeat(t_vec[steps], nx)
    pos = jnp.stack([t_pos, x_pos], axis=1)
    # time window stacked into node features
    u = jnp.transpose(data, (0, 2, 1)).reshape(-1, tw)
    y = jnp.transpose(labels, (0, 2, 1)).reshape(-1, tw)
    batch_vec = jnp.repeat(jnp.arange(Bv), nx)
    # kNN graph (non-CE branch of the torch module)
    edge_index = knn_graph_1d(x_pos, N_NEIGH, nx, Bv)
    src, dst = edge_index[0], edge_index[1]
    mask = src < dst
    E = (Bv * nx * N_NEIGH) // 2
    keep_idx = jnp.nonzero(mask, size=E)[0]
    edge_index = jnp.stack([src[keep_idx], dst[keep_idx]], axis=0)
    edge_attr = jnp.zeros((E, 1), dtype=jnp.float32)
    return (u, edge_index, y, pos, batch_vec, edge_attr)

if __name__ == "__main__":
    import jax
    _d = setup_inputs()
    print(jax.jit(kernel)(*tuple(_d.values())))

</pallas_src>

<mosaic_0001>
#map = affine_map<(d0, d1) -> (0)>
module attributes {stable_mosaic.version = 14 : i64} {
  func.func @_sc_body(%arg0: i32, %arg1: i32, %arg2: memref<2048xf32, #tpu.memory_space<hbm>>, %arg3: memref<524288xi32, #tpu.memory_space<hbm>>, %arg4: memref<2080xf32, #tpu.memory_space<vmem>>, %arg5: memref<2064xi32, #tpu.memory_space<vmem>>, %arg6: memref<8192xi32, #tpu.memory_space<vmem>>, %arg7: memref<8192xi32, #tpu.memory_space<vmem>>, %arg8: memref<8192xi32, #tpu.memory_space<vmem>>) attributes {dimension_semantics = [#tpu.dimension_semantics<core_parallel>, #tpu.dimension_semantics<subcore_parallel>], iteration_bounds = array<i64: 2, 16>, scalar_prefetch = 0 : i64, scratch_operands = 5 : i64, tpu.core_type = #tpu.core_type<sc_vector_subcore>, window_params = [{transform_indices = #map}, {transform_indices = #map}]} {
    %mul3A = arith.constant 2 : i32
    %mul3A_0 = arith.muli %arg1, %mul3A : i32
    %add3A = arith.addi %mul3A_0, %arg0 : i32
    %iota3A = tpu.iota {dimensions = array<i32: 0>} : vector<16xi32>
    "tpu.region"() ({
      %run_scoped3A = tpu.sem_alloc : memref<!tpu.dma_semaphore, #tpu.memory_space<semaphore_mem>>
      %dma_start3A = arith.constant 16 : i32
      %dma_start3A_85 = tpu.memref_slice %arg4[%dma_start3A] : memref<2080xf32, #tpu.memory_space<vmem>> -> memref<2048xf32, #tpu.memory_space<vmem>>
      %dma_start3A_86 = arith.constant 16 : i32
      %dma_start3A_87 = tpu.memref_slice %arg4[%dma_start3A_86] : memref<2080xf32, #tpu.memory_space<vmem>> -> memref<2048xf32, #tpu.memory_space<vmem>>
      tpu.enqueue_dma source(%arg2 : memref<2048xf32, #tpu.memory_space<hbm>>) target(%dma_start3A_87 : memref<2048xf32, #tpu.memory_space<vmem>>) target_semaphore(%run_scoped3A : memref<!tpu.dma_semaphore, #tpu.memory_space<semaphore_mem>>)
      %dma_wait3A = arith.constant 16 : i32
      %dma_wait3A_88 = tpu.memref_slice %arg4[%dma_wait3A] : memref<2080xf32, #tpu.memory_space<vmem>> -> memref<2048xf32, #tpu.memory_space<vmem>>
      %dma_wait3A_89 = arith.constant 16 : i32
      %dma_wait3A_90 = tpu.memref_slice %arg4[%dma_wait3A_89] : memref<2080xf32, #tpu.memory_space<vmem>> -> memref<2048xf32, #tpu.memory_space<vmem>>
      tpu.wait_dma2 semaphore(%run_scoped3A : memref<!tpu.dma_semaphore, #tpu.memory_space<semaphore_mem>>) src(%arg2 : memref<2048xf32, #tpu.memory_space<hbm>>) dst(%dma_wait3A_90 : memref<2048xf32, #tpu.memory_space<vmem>>)
      tpu.yield
    }) : () -> ()
    %neg3A = arith.constant 0.000000e+00 : f32
    %neg3A_1 = arith.constant 0x7F800000 : f32
    %neg3A_2 = arith.subf %neg3A, %neg3A_1 : f32
    %broadcast_in_dim3A = vector.broadcast %neg3A_2 : f32 to vector<16xf32>
    %swap3A = arith.constant 0 : index
    %swap3A_3 = tpu.vector_load %arg4[%swap3A] {strides = array<i32>} : memref<2080xf32, #tpu.memory_space<vmem>>, vector<16xf32>,
    tpu.vector_store %arg4[%swap3A], %broadcast_in_dim3A {strides = array<i32>} : memref<2080xf32, #tpu.memory_space<vmem>>, vector<16xf32>,
    %broadcast_in_dim3A_4 = arith.constant 0x7F800000 : f32
    %broadcast_in_dim3A_5 = vector.broadcast %broadcast_in_dim3A_4 : f32 to vector<16xf32>
    %swap3A_6 = arith.constant 2064 : index
    %swap3A_7 = tpu.vector_load %arg4[%swap3A_6] {strides = array<i32>} : memref<2080xf32, #tpu.memory_space<vmem>>, vector<16xf32>,
    tpu.vector_store %arg4[%swap3A_6], %broadcast_in_dim3A_5 {strides = array<i32>} : memref<2080xf32, #tpu.memory_space<vmem>>, vector<16xf32>,
    %scan3A = arith.constant 0 : i32
    %scan3A_8 = arith.constant 0 : i32
    %scan3A_9 = arith.constant 128 : i32
    %scan3A_10 = arith.addi %scan3A_8, %scan3A_9 : i32
    %scan3A_11 = arith.constant 1 : i32
    %scan3A_12 = scf.for %scan3A_85 = %scan3A_8 to %scan3A_10 step %scan3A_11 iter_args(%scan3A_86 = %scan3A) -> (i32)  : i32 {
      %mul3A_87 = arith.constant 16 : i32
      %mul3A_88 = arith.muli %scan3A_85, %mul3A_87 : i32
      %add3A_89 = arith.constant 16 : i32
      %add3A_90 = arith.addi %mul3A_88, %add3A_89 : i32
      %get3A = arith.index_cast %add3A_90 : i32 to index
      %get3A_91 = tpu.vector_load %arg4[%get3A] {strides = array<i32>} : memref<2080xf32, #tpu.memory_space<vmem>>, vector<16xf32>,
      %broadcast_in_dim3A_92 = arith.constant 0 : i32
      %broadcast_in_dim3A_93 = vector.broadcast %broadcast_in_dim3A_92 : i32 to vector<16xi32>
      %add3A_94 = arith.constant 16 : i32
      %add3A_95 = arith.addi %mul3A_88, %add3A_94 : i32
      %sub3A_96 = arith.constant 1 : i32
      %sub3A_97 = arith.subi %add3A_95, %sub3A_96 : i32
      %get3A_98 = arith.index_cast %sub3A_97 : i32 to index
      %get3A_99 = tpu.vector_load %arg4[%get3A_98] {strides = array<i32>} : memref<2080xf32, #tpu.memory_space<vmem>>, vector<16xf32>,
      %sub3A_100 = arith.subf %get3A_91, %get3A_99 : vector<16xf32>
      %add3A_101 = arith.constant 16 : i32
      %add3A_102 = arith.addi %mul3A_88, %add3A_101 : i32
      %add3A_103 = arith.constant 16 : i32
      %add3A_104 = arith.addi %add3A_102, %add3A_103 : i32
      %get3A_105 = arith.index_cast %add3A_104 : i32 to index
      %get3A_106 = tpu.vector_load %arg4[%get3A_105] {strides = array<i32>} : memref<2080xf32, #tpu.memory_space<vmem>>, vector<16xf32>,
      %sub3A_107 = arith.subf %get3A_106, %get3A_91 : vector<16xf32>
      %le3A = arith.cmpf ole, %sub3A_100, %sub3A_107 : vector<16xf32>
      %jit3A_108 = arith.constant 1 : i32
      %jit3A_109 = arith.constant 0 : i32
      %broadcast_in_dim3A_110 = vector.broadcast %jit3A_108 : i32 to vector<16xi32>
      %broadcast_in_dim3A_111 = vector.broadcast %jit3A_109 : i32 to vector<16xi32>
      %select_n3A_112 = arith.select %le3A, %broadcast_in_dim3A_110, %broadcast_in_dim3A_111 : vector<16xi1>, vector<16xi32>
      %add3A_113 = arith.addi %broadcast_in_dim3A_93, %select_n3A_112 : vector<16xi32>
      %add3A_114 = arith.constant 16 : i32
      %add3A_115 = arith.addi %mul3A_88, %add3A_114 : i32
      %sub3A_116 = arith.constant 2 : i32
      %sub3A_117 = arith.subi %add3A_115, %sub3A_116 : i32
      %get3A_118 = arith.index_cast %sub3A_117 : i32 to index
      %get3A_119 = tpu.vector_load %arg4[%get3A_118] {strides = array<i32>} : memref<2080xf32, #tpu.memory_space<vmem>>, vector<16xf32>,
      %sub3A_120 = arith.subf %get3A_91, %get3A_119 : vector<16xf32>
      %add3A_121 = arith.constant 16 : i32
      %add3A_122 = arith.addi %mul3A_88, %add3A_121 : i32
      %add3A_123 = arith.constant 15 : i32
      %add3A_124 = arith.addi %add3A_122, %add3A_123 : i32
      %get3A_125 = arith.index_cast %add3A_124 : i32 to index
      %get3A_126 = tpu.vector_load %arg4[%get3A_125] {strides = array<i32>} : memref<2080xf32, #tpu.memory_space<vmem>>, vector<16xf32>,
      %sub3A_127 = arith.subf %get3A_126, %get3A_91 : vector<16xf32>
      %le3A_128 = arith.cmpf ole, %sub3A_120, %sub3A_127 : vector<16xf32>
      %jit3A_129 = arith.constant 1 : i32
      %jit3A_130 = arith.constant 0 : i32
      %broadcast_in_dim3A_131 = vector.broadcast %jit3A_129 : i32 to vector<16xi32>
      %broadcast_in_dim3A_132 = vector.broadcast %jit3A_130 : i32 to vector<16xi32>
      %select_n3A_133 = arith.select %le3A_128, %broadcast_in_dim3A_131, %broadcast_in_dim3A_132 : vector<16xi1>, vector<16xi32>
      %add3A_134 = arith.addi %add3A_113, %select_n3A_133 : vector<16xi32>
      %add3A_135 = arith.constant 16 : i32
      %add3A_136 = arith.addi %mul3A_88, %add3A_135 : i32
      %sub3A_137 = arith.constant 3 : i32
      %sub3A_138 = arith.subi %add3A_136, %sub3A_137 : i32
      %get3A_139 = arith.index_cast %sub3A_138 : i32 to index
      %get3A_140 = tpu.vector_load %arg4[%get3A_139] {strides = array<i32>} : memref<2080xf32, #tpu.memory_space<vmem>>, vector<16xf32>,
      %sub3A_141 = arith.subf %get3A_91, %get3A_140 : vector<16xf32>
      %add3A_142 = arith.constant 16 : i32
      %add3A_143 = arith.addi %mul3A_88, %add3A_142 : i32
      %add3A_144 = arith.constant 14 : i32
      %add3A_145 = arith.addi %add3A_143, %add3A_144 : i32
      %get3A_146 = arith.index_cast %add3A_145 : i32 to index
      %get3A_147 = tpu.vector_load %arg4[%get3A_146] {strides = array<i32>} : memref<2080xf32, #tpu.memory_space<vmem>>, vector<16xf32>,
      %sub3A_148 = arith.subf %get3A_147, %get3A_91 : vector<16xf32>
      %le3A_149 = arith.cmpf ole, %sub3A_141, %sub3A_148 : vector<16xf32>
      %jit3A_150 = arith.constant 1 : i32
      %jit3A_151 = arith.constant 0 : i32
      %broadcast_in_dim3A_152 = vector.broadcast %jit3A_150 : i32 to vector<16xi32>
      %broadcast_in_dim3A_153 = vector.broadcast %jit3A_151 : i32 to vector<16xi32>
      %select_n3A_154 = arith.select %le3A_149, %broadcast_in_dim3A_152, %broadcast_in_dim3A_153 : vector<16xi1>, vector<16xi32>
      %add3A_155 = arith.addi %add3A_134, %select_n3A_154 : vector<16xi32>
      %add3A_156 = arith.constant 16 : i32
      %add3A_157 = arith.addi %mul3A_88, %add3A_156 : i32
      %sub3A_158 = arith.constant 4 : i32
      %sub3A_159 = arith.subi %add3A_157, %sub3A_158 : i32
      %get3A_160 = arith.index_cast %sub3A_159 : i32 to index
      %get3A_161 = tpu.vector_load %arg4[%get3A_160] {strides = array<i32>} : memref<2080xf32, #tpu.memory_space<vmem>>, vector<16xf32>,
      %sub3A_162 = arith.subf %get3A_91, %get3A_161 : vector<16xf32>
      %add3A_163 = arith.constant 16 : i32
      %add3A_164 = arith.addi %mul3A_88, %add3A_163 : i32
      %add3A_165 = arith.constant 13 : i32
      %add3A_166 = arith.addi %add3A_164, %add3A_165 : i32
      %get3A_167 = arith.index_cast %add3A_166 : i32 to index
      %get3A_168 = tpu.vector_load %arg4[%get3A_167] {strides = array<i32>} : memref<2080xf32, #tpu.memory_space<vmem>>, vector<16xf32>,
      %sub3A_169 = arith.subf %get3A_168, %get3A_91 : vector<16xf32>
      %le3A_170 = arith.cmpf ole, %sub3A_162, %sub3A_169 : vector<16xf32>
      %jit3A_171 = arith.constant 1 : i32
      %jit3A_172 = arith.constant 0 : i32
      %broadcast_in_dim3A_173 = vector.broadcast %jit3A_171 : i32 to vector<16xi32>
      %broadcast_in_dim3A_174 = vector.broadcast %jit3A_172 : i32 to vector<16xi32>
      %select_n3A_175 = arith.select %le3A_170, %broadcast_in_dim3A_173, %broadcast_in_dim3A_174 : vector<16xi1>, vector<16xi32>
      %add3A_176 = arith.addi %add3A_155, %select_n3A_175 : vector<16xi32>
      %add3A_177 = arith.constant 16 : i32
      %add3A_178 = arith.addi %mul3A_88, %add3A_177 : i32
      %sub3A_179 = arith.constant 5 : i32
      %sub3A_180 = arith.subi %add3A_178, %sub3A_179 : i32
      %get3A_181 = arith.index_cast %sub3A_180 : i32 to index
      %get3A_182 = tpu.vector_load %arg4[%get3A_181] {strides = array<i32>} : memref<2080xf32, #tpu.memory_space<vmem>>, vector<16xf32>,
      %sub3A_183 = arith.subf %get3A_91, %get3A_182 : vector<16xf32>
      %add3A_184 = arith.constant 16 : i32
      %add3A_185 = arith.addi %mul3A_88, %add3A_184 : i32
      %add3A_186 = arith.constant 12 : i32
      %add3A_187 = arith.addi %add3A_185, %add3A_186 : i32
      %get3A_188 = arith.index_cast %add3A_187 : i32 to index
      %get3A_189 = tpu.vector_load %arg4[%get3A_188] {strides = array<i32>} : memref<2080xf32, #tpu.memory_space<vmem>>, vector<16xf32>,
      %sub3A_190 = arith.subf %get3A_189, %get3A_91 : vector<16xf32>
      %le3A_191 = arith.cmpf ole, %sub3A_183, %sub3A_190 : vector<16xf32>
      %jit3A_192 = arith.constant 1 : i32
      %jit3A_193 = arith.constant 0 : i32
      %broadcast_in_dim3A_194 = vector.broadcast %jit3A_192 : i32 to vector<16xi32>
      %broadcast_in_dim3A_195 = vector.broadcast %jit3A_193 : i32 to vector<16xi32>
      %select_n3A_196 = arith.select %le3A_191, %broadcast_in_dim3A_194, %broadcast_in_dim3A_195 : vector<16xi1>, vector<16xi32>
      %add3A_197 = arith.addi %add3A_176, %select_n3A_196 : vector<16xi32>
      %add3A_198 = arith.constant 16 : i32
      %add3A_199 = arith.addi %mul3A_88, %add3A_198 : i32
      %sub3A_200 = arith.constant 6 : i32
      %sub3A_201 = arith.subi %add3A_199, %sub3A_200 : i32
      %get3A_202 = arith.index_cast %sub3A_201 : i32 to index
      %get3A_203 = tpu.vector_load %arg4[%get3A_202] {strides = array<i32>} : memref<2080xf32, #tpu.memory_space<vmem>>, vector<16xf32>,
      %sub3A_204 = arith.subf %get3A_91, %get3A_203 : vector<16xf32>
      %add3A_205 = arith.constant 16 : i32
      %add3A_206 = arith.addi %mul3A_88, %add3A_205 : i32
      %add3A_207 = arith.constant 11 : i32
      %add3A_208 = arith.addi %add3A_206, %add3A_207 : i32
      %get3A_209 = arith.index_cast %add3A_208 : i32 to index
      %get3A_210 = tpu.vector_load %arg4[%get3A_209] {strides = array<i32>} : memref<2080xf32, #tpu.memory_space<vmem>>, vector<16xf32>,
      %sub3A_211 = arith.subf %get3A_210, %get3A_91 : vector<16xf32>
      %le3A_212 = arith.cmpf ole, %sub3A_204, %sub3A_211 : vector<16xf32>
      %jit3A_213 = arith.constant 1 : i32
      %jit3A_214 = arith.constant 0 : i32
      %broadcast_in_dim3A_215 = vector.broadcast %jit3A_213 : i32 to vector<16xi32>
      %broadcast_in_dim3A_216 = vector.broadcast %jit3A_214 : i32 to vector<16xi32>
      %select_n3A_217 = arith.select %le3A_212, %broadcast_in_dim3A_215, %broadcast_in_dim3A_216 : vector<16xi1>, vector<16xi32>
      %add3A_218 = arith.addi %add3A_197, %select_n3A_217 : vector<16xi32>
      %add3A_219 = arith.constant 16 : i32
      %add3A_220 = arith.addi %mul3A_88, %add3A_219 : i32
      %sub3A_221 = arith.constant 7 : i32
      %sub3A_222 = arith.subi %add3A_220, %sub3A_221 : i32
      %get3A_223 = arith.index_cast %sub3A_222 : i32 to index
      %get3A_224 = tpu.vector_load %arg4[%get3A_223] {strides = array<i32>} : memref<2080xf32, #tpu.memory_space<vmem>>, vector<16xf32>,
      %sub3A_225 = arith.subf %get3A_91, %get3A_224 : vector<16xf32>
      %add3A_226 = arith.constant 16 : i32
      %add3A_227 = arith.addi %mul3A_88, %add3A_226 : i32
      %add3A_228 = arith.constant 10 : i32
      %add3A_229 = arith.addi %add3A_227, %add3A_228 : i32
      %get3A_230 = arith.index_cast %add3A_229 : i32 to index
      %get3A_231 = tpu.vector_load %arg4[%get3A_230] {strides = array<i32>} : memref<2080xf32, #tpu.memory_space<vmem>>, vector<16xf32>,
      %sub3A_232 = arith.subf %get3A_231, %get3A_91 : vector<16xf32>
      %le3A_233 = arith.cmpf ole, %sub3A_225, %sub3A_232 : vector<16xf32>
      %jit3A_234 = arith.constant 1 : i32
      %jit3A_235 = arith.constant 0 : i32
      %broadcast_in_dim3A_236 = vector.broadcast %jit3A_234 : i32 to vector<16xi32>
      %broadcast_in_dim3A_237 = vector.broadcast %jit3A_235 : i32 to vector<16xi32>
      %select_n3A_238 = arith.select %le3A_233, %broadcast_in_dim3A_236, %broadcast_in_dim3A_237 : vector<16xi1>, vector<16xi32>
      %add3A_239 = arith.addi %add3A_218, %select_n3A_238 : vector<16xi32>
      %add3A_240 = arith.constant 16 : i32
      %add3A_241 = arith.addi %mul3A_88, %add3A_240 : i32
      %sub3A_242 = arith.constant 8 : i32
      %sub3A_243 = arith.subi %add3A_241, %sub3A_242 : i32
      %get3A_244 = arith.index_cast %sub3A_243 : i32 to index
      %get3A_245 = tpu.vector_load %arg4[%get3A_244] {strides = array<i32>} : memref<2080xf32, #tpu.memory_space<vmem>>, vector<16xf32>,
      %sub3A_246 = arith.subf %get3A_91, %get3A_245 : vector<16xf32>
      %add3A_247 = arith.constant 16 : i32
      %add3A_248 = arith.addi %mul3A_88, %add3A_247 : i32
      %add3A_249 = arith.constant 9 : i32
      %add3A_250 = arith.addi %add3A_248, %add3A_249 : i32
      %get3A_251 = arith.index_cast %add3A_250 : i32 to index
      %get3A_252 = tpu.vector_load %arg4[%get3A_251] {strides = array<i32>} : memref<2080xf32, #tpu.memory_space<vmem>>, vector<16xf32>,
      %sub3A_253 = arith.subf %get3A_252, %get3A_91 : vector<16xf32>
      %le3A_254 = arith.cmpf ole, %sub3A_246, %sub3A_253 : vector<16xf32>
      %jit3A_255 = arith.constant 1 : i32
      %jit3A_256 = arith.constant 0 : i32
      %broadcast_in_dim3A_257 = vector.broadcast %jit3A_255 : i32 to vector<16xi32>
      %broadcast_in_dim3A_258 = vector.broadcast %jit3A_256 : i32 to vector<16xi32>
      %select_n3A_259 = arith.select %le3A_254, %broadcast_in_dim3A_257, %broadcast_in_dim3A_258 : vector<16xi1>, vector<16xi32>
      %add3A_260 = arith.addi %add3A_239, %select_n3A_259 : vector<16xi32>
      %add3A_261 = arith.constant 16 : i32
      %add3A_262 = arith.addi %mul3A_88, %add3A_261 : i32
      %sub3A_263 = arith.constant 9 : i32
      %sub3A_264 = arith.subi %add3A_262, %sub3A_263 : i32
      %get3A_265 = arith.index_cast %sub3A_264 : i32 to index
      %get3A_266 = tpu.vector_load %arg4[%get3A_265] {strides = array<i32>} : memref<2080xf32, #tpu.memory_space<vmem>>, vector<16xf32>,
      %sub3A_267 = arith.subf %get3A_91, %get3A_266 : vector<16xf32>
      %add3A_268 = arith.constant 16 : i32
      %add3A_269 = arith.addi %mul3A_88, %add3A_268 : i32
      %add3A_270 = arith.constant 8 : i32
      %add3A_271 = arith.addi %add3A_269, %add3A_270 : i32
      %get3A_272 = arith.index_cast %add3A_271 : i32 to index
      %get3A_273 = tpu.vector_load %arg4[%get3A_272] {strides = array<i32>} : memref<2080xf32, #tpu.memory_space<vmem>>, vector<16xf32>,
      %sub3A_274 = arith.subf %get3A_273, %get3A_91 : vector<16xf32>
      %le3A_275 = arith.cmpf ole, %sub3A_267, %sub3A_274 : vector<16xf32>
      %jit3A_276 = arith.constant 1 : i32
      %jit3A_277 = arith.constant 0 : i32
      %broadcast_in_dim3A_278 = vector.broadcast %jit3A_276 : i32 to vector<16xi32>
      %broadcast_in_dim3A_279 = vector.broadcast %jit3A_277 : i32 to vector<16xi32>
      %select_n3A_280 = arith.select %le3A_275, %broadcast_in_dim3A_278, %broadcast_in_dim3A_279 : vector<16xi1>, vector<16xi32>
      %add3A_281 = arith.addi %add3A_260, %select_n3A_280 : vector<16xi32>
      %add3A_282 = arith.constant 16 : i32
      %add3A_283 = arith.addi %mul3A_88, %add3A_282 : i32
      %sub3A_284 = arith.constant 10 : i32
      %sub3A_285 = arith.subi %add3A_283, %sub3A_284 : i32
      %get3A_286 = arith.index_cast %sub3A_285 : i32 to index
      %get3A_287 = tpu.vector_load %arg4[%get3A_286] {strides = array<i32>} : memref<2080xf32, #tpu.memory_space<vmem>>, vector<16xf32>,
      %sub3A_288 = arith.subf %get3A_91, %get3A_287 : vector<16xf32>
      %add3A_289 = arith.constant 16 : i32
      %add3A_290 = arith.addi %mul3A_88, %add3A_289 : i32
      %add3A_291 = arith.constant 7 : i32
      %add3A_292 = arith.addi %add3A_290, %add3A_291 : i32
      %get3A_293 = arith.index_cast %add3A_292 : i32 to index
      %get3A_294 = tpu.vector_load %arg4[%get3A_293] {strides = array<i32>} : memref<2080xf32, #tpu.memory_space<vmem>>, vector<16xf32>,
      %sub3A_295 = arith.subf %get3A_294, %get3A_91 : vector<16xf32>
      %le3A_296 = arith.cmpf ole, %sub3A_288, %sub3A_295 : vector<16xf32>
      %jit3A_297 = arith.constant 1 : i32
      %jit3A_298 = arith.constant 0 : i32
      %broadcast_in_dim3A_299 = vector.broadcast %jit3A_297 : i32 to vector<16xi32>
      %broadcast_in_dim3A_300 = vector.broadcast %jit3A_298 : i32 to vector<16xi32>
      %select_n3A_301 = arith.select %le3A_296, %broadcast_in_dim3A_299, %broadcast_in_dim3A_300 : vector<16xi1>, vector<16xi32>
      %add3A_302 = arith.addi %add3A_281, %select_n3A_301 : vector<16xi32>
      %add3A_303 = arith.constant 16 : i32
      %add3A_304 = arith.addi %mul3A_88, %add3A_303 : i32
      %sub3A_305 = arith.constant 11 : i32
      %sub3A_306 = arith.subi %add3A_304, %sub3A_305 : i32
      %get3A_307 = arith.index_cast %sub3A_306 : i32 to index
      %get3A_308 = tpu.vector_load %arg4[%get3A_307] {strides = array<i32>} : memref<2080xf32, #tpu.memory_space<vmem>>, vector<16xf32>,
      %sub3A_309 = arith.subf %get3A_91, %get3A_308 : vector<16xf32>
      %add3A_310 = arith.constant 16 : i32
      %add3A_311 = arith.addi %mul3A_88, %add3A_310 : i32
      %add3A_312 = arith.constant 6 : i32
      %add3A_313 = arith.addi %add3A_311, %add3A_312 : i32
      %get3A_314 = arith.index_cast %add3A_313 : i32 to index
      %get3A_315 = tpu.vector_load %arg4[%get3A_314] {strides = array<i32>} : memref<2080xf32, #tpu.memory_space<vmem>>, vector<16xf32>,
      %sub3A_316 = arith.subf %get3A_315, %get3A_91 : vector<16xf32>
      %le3A_317 = arith.cmpf ole, %sub3A_309, %sub3A_316 : vector<16xf32>
      %jit3A_318 = arith.constant 1 : i32
      %jit3A_319 = arith.constant 0 : i32
      %broadcast_in_dim3A_320 = vector.broadcast %jit3A_318 : i32 to vector<16xi32>
      %broadcast_in_dim3A_321 = vector.broadcast %jit3A_319 : i32 to vector<16xi32>
      %select_n3A_322 = arith.select %le3A_317, %broadcast_in_dim3A_320, %broadcast_in_dim3A_321 : vector<16xi1>, vector<16xi32>
      %add3A_323 = arith.addi %add3A_302, %select_n3A_322 : vector<16xi32>
      %add3A_324 = arith.constant 16 : i32
      %add3A_325 = arith.addi %mul3A_88, %add3A_324 : i32
      %sub3A_326 = arith.constant 12 : i32
      %sub3A_327 = arith.subi %add3A_325, %sub3A_326 : i32
      %get3A_328 = arith.index_cast %sub3A_327 : i32 to index
      %get3A_329 = tpu.vector_load %arg4[%get3A_328] {strides = array<i32>} : memref<2080xf32, #tpu.memory_space<vmem>>, vector<16xf32>,
      %sub3A_330 = arith.subf %get3A_91, %get3A_329 : vector<16xf32>
      %add3A_331 = arith.constant 16 : i32
      %add3A_332 = arith.addi %mul3A_88, %add3A_331 : i32
      %add3A_333 = arith.constant 5 : i32
      %add3A_334 = arith.addi %add3A_332, %add3A_333 : i32
      %get3A_335 = arith.index_cast %add3A_334 : i32 to index
      %get3A_336 = tpu.vector_load %arg4[%get3A_335] {strides = array<i32>} : memref<2080xf32, #tpu.memory_space<vmem>>, vector<16xf32>,
      %sub3A_337 = arith.subf %get3A_336, %get3A_91 : vector<16xf32>
      %le3A_338 = arith.cmpf ole, %sub3A_330, %sub3A_337 : vector<16xf32>
      %jit3A_339 = arith.constant 1 : i32
      %jit3A_340 = arith.constant 0 : i32
      %broadcast_in_dim3A_341 = vector.broadcast %jit3A_339 : i32 to vector<16xi32>
      %broadcast_in_dim3A_342 = vector.broadcast %jit3A_340 : i32 to vector<16xi32>
      %select_n3A_343 = arith.select %le3A_338, %broadcast_in_dim3A_341, %broadcast_in_dim3A_342 : vector<16xi1>, vector<16xi32>
      %add3A_344 = arith.addi %add3A_323, %select_n3A_343 : vector<16xi32>
      %add3A_345 = arith.constant 16 : i32
      %add3A_346 = arith.addi %mul3A_88, %add3A_345 : i32
      %sub3A_347 = arith.constant 13 : i32
      %sub3A_348 = arith.subi %add3A_346, %sub3A_347 : i32
      %get3A_349 = arith.index_cast %sub3A_348 : i32 to index
      %get3A_350 = tpu.vector_load %arg4[%get3A_349] {strides = array<i32>} : memref<2080xf32, #tpu.memory_space<vmem>>, vector<16xf32>,
      %sub3A_351 = arith.subf %get3A_91, %get3A_350 : vector<16xf32>
      %add3A_352 = arith.constant 16 : i32
      %add3A_353 = arith.addi %mul3A_88, %add3A_352 : i32
      %add3A_354 = arith.constant 4 : i32
      %add3A_355 = arith.addi %add3A_353, %add3A_354 : i32
      %get3A_356 = arith.index_cast %add3A_355 : i32 to index
      %get3A_357 = tpu.vector_load %arg4[%get3A_356] {strides = array<i32>} : memref<2080xf32, #tpu.memory_space<vmem>>, vector<16xf32>,
      %sub3A_358 = arith.subf %get3A_357, %get3A_91 : vector<16xf32>
      %le3A_359 = arith.cmpf ole, %sub3A_351, %sub3A_358 : vector<16xf32>
      %jit3A_360 = arith.constant 1 : i32
      %jit3A_361 = arith.constant 0 : i32
      %broadcast_in_dim3A_362 = vector.broadcast %jit3A_360 : i32 to vector<16xi32>
      %broadcast_in_dim3A_363 = vector.broadcast %jit3A_361 : i32 to vector<16xi32>
      %select_n3A_364 = arith.select %le3A_359, %broadcast_in_dim3A_362, %broadcast_in_dim3A_363 : vector<16xi1>, vector<16xi32>
      %add3A_365 = arith.addi %add3A_344, %select_n3A_364 : vector<16xi32>
      %add3A_366 = arith.constant 16 : i32
      %add3A_367 = arith.addi %mul3A_88, %add3A_366 : i32
      %sub3A_368 = arith.constant 14 : i32
      %sub3A_369 = arith.subi %add3A_367, %sub3A_368 : i32
      %get3A_370 = arith.index_cast %sub3A_369 : i32 to index
      %get3A_371 = tpu.vector_load %arg4[%get3A_370] {strides = array<i32>} : memref<2080xf32, #tpu.memory_space<vmem>>, vector<16xf32>,
      %sub3A_372 = arith.subf %get3A_91, %get3A_371 : vector<16xf32>
      %add3A_373 = arith.constant 16 : i32
      %add3A_374 = arith.addi %mul3A_88, %add3A_373 : i32
      %add3A_375 = arith.constant 3 : i32
      %add3A_376 = arith.addi %add3A_374, %add3A_375 : i32
      %get3A_377 = arith.index_cast %add3A_376 : i32 to index
      %get3A_378 = tpu.vector_load %arg4[%get3A_377] {strides = array<i32>} : memref<2080xf32, #tpu.memory_space<vmem>>, vector<16xf32>,
      %sub3A_379 = arith.subf %get3A_378, %get3A_91 : vector<16xf32>
      %le3A_380 = arith.cmpf ole, %sub3A_372, %sub3A_379 : vector<16xf32>
      %jit3A_381 = arith.constant 1 : i32
      %jit3A_382 = arith.constant 0 : i32
      %broadcast_in_dim3A_383 = vector.broadcast %jit3A_381 : i32 to vector<16xi32>
      %broadcast_in_dim3A_384 = vector.broadcast %jit3A_382 : i32 to vector<16xi32>
      %select_n3A_385 = arith.select %le3A_380, %broadcast_in_dim3A_383, %broadcast_in_dim3A_384 : vector<16xi1>, vector<16xi32>
      %add3A_386 = arith.addi %add3A_365, %select_n3A_385 : vector<16xi32>
      %add3A_387 = arith.constant 16 : i32
      %add3A_388 = arith.addi %mul3A_88, %add3A_387 : i32
      %sub3A_389 = arith.constant 15 : i32
      %sub3A_390 = arith.subi %add3A_388, %sub3A_389 : i32
      %get3A_391 = arith.index_cast %sub3A_390 : i32 to index
      %get3A_392 = tpu.vector_load %arg4[%get3A_391] {strides = array<i32>} : memref<2080xf32, #tpu.memory_space<vmem>>, vector<16xf32>,
      %sub3A_393 = arith.subf %get3A_91, %get3A_392 : vector<16xf32>
      %add3A_394 = arith.constant 16 : i32
      %add3A_395 = arith.addi %mul3A_88, %add3A_394 : i32
      %add3A_396 = arith.constant 2 : i32
      %add3A_397 = arith.addi %add3A_395, %add3A_396 : i32
      %get3A_398 = arith.index_cast %add3A_397 : i32 to index
      %get3A_399 = tpu.vector_load %arg4[%get3A_398] {strides = array<i32>} : memref<2080xf32, #tpu.memory_space<vmem>>, vector<16xf32>,
      %sub3A_400 = arith.subf %get3A_399, %get3A_91 : vector<16xf32>
      %le3A_401 = arith.cmpf ole, %sub3A_393, %sub3A_400 : vector<16xf32>
      %jit3A_402 = arith.constant 1 : i32
      %jit3A_403 = arith.constant 0 : i32
      %broadcast_in_dim3A_404 = vector.broadcast %jit3A_402 : i32 to vector<16xi32>
      %broadcast_in_dim3A_405 = vector.broadcast %jit3A_403 : i32 to vector<16xi32>
      %select_n3A_406 = arith.select %le3A_401, %broadcast_in_dim3A_404, %broadcast_in_dim3A_405 : vector<16xi1>, vector<16xi32>
      %add3A_407 = arith.addi %add3A_386, %select_n3A_406 : vector<16xi32>
      %add3A_408 = arith.constant 16 : i32
      %add3A_409 = arith.addi %mul3A_88, %add3A_408 : i32
      %sub3A_410 = arith.constant 16 : i32
      %sub3A_411 = arith.subi %add3A_409, %sub3A_410 : i32
      %get3A_412 = arith.index_cast %sub3A_411 : i32 to index
      %get3A_413 = tpu.vector_load %arg4[%get3A_412] {strides = array<i32>} : memref<2080xf32, #tpu.memory_space<vmem>>, vector<16xf32>,
      %sub3A_414 = arith.subf %get3A_91, %get3A_413 : vector<16xf32>
      %add3A_415 = arith.constant 16 : i32
      %add3A_416 = arith.addi %mul3A_88, %add3A_415 : i32
      %add3A_417 = arith.constant 1 : i32
      %add3A_418 = arith.addi %add3A_416, %add3A_417 : i32
      %get3A_419 = arith.index_cast %add3A_418 : i32 to index
      %get3A_420 = tpu.vector_load %arg4[%get3A_419] {strides = array<i32>} : memref<2080xf32, #tpu.memory_space<vmem>>, vector<16xf32>,
      %sub3A_421 = arith.subf %get3A_420, %get3A_91 : vector<16xf32>
      %le3A_422 = arith.cmpf ole, %sub3A_414, %sub3A_421 : vector<16xf32>
      %jit3A_423 = arith.constant 1 : i32
      %jit3A_424 = arith.constant 0 : i32
      %broadcast_in_dim3A_425 = vector.broadcast %jit3A_423 : i32 to vector<16xi32>
      %broadcast_in_dim3A_426 = vector.broadcast %jit3A_424 : i32 to vector<16xi32>
      %select_n3A_427 = arith.select %le3A_422, %broadcast_in_dim3A_425, %broadcast_in_dim3A_426 : vector<16xi1>, vector<16xi32>
      %add3A_428 = arith.addi %add3A_407, %select_n3A_427 : vector<16xi32>
      %broadcast_in_dim3A_429 = arith.constant true
      %broadcast_in_dim3A_430 = vector.broadcast %broadcast_in_dim3A_429 : i1 to vector<16xi1>
      %masked_cumsum3A = tpu.scan <sum>, %add3A_428 masked %broadcast_in_dim3A_430 : vector<16xi32>, vector<16xi1> -> vector<16xi32>
      %sub3A_431 = arith.subi %masked_cumsum3A, %add3A_428 : vector<16xi32>
      %add3A_432 = vector.broadcast %scan3A_86 : i32 to vector<16xi32>
      %add3A_433 = arith.addi %sub3A_431, %add3A_432 : vector<16xi32>
      %swap3A_434 = arith.index_cast %mul3A_88 : i32 to index
      %swap3A_435 = tpu.vector_load %arg5[%swap3A_434] {strides = array<i32>} : memref<2064xi32, #tpu.memory_space<vmem>>, vector<16xi32>,
      tpu.vector_store %arg5[%swap3A_434], %add3A_433 {strides = array<i32>} : memref<2064xi32, #tpu.memory_space<vmem>>, vector<16xi32>,
      %reduce_sum3A_436 = arith.constant true
      %reduce_sum3A_437 = vector.broadcast %reduce_sum3A_436 : i1 to vector<16xi1>
      %reduce_sum3A_438 = tpu.scan <sum>, %add3A_428 masked %reduce_sum3A_437 : vector<16xi32>, vector<16xi1> -> vector<16xi32>
      %reduce_sum3A_439 = vector.extract %reduce_sum3A_438[15] : i32 from vector<16xi32>
      %add3A_440 = arith.addi %scan3A_86, %reduce_sum3A_439 : i32
      scf.yield %add3A_440 : i32
    }
    %scan3A_13 = arith.constant 128 : i32
    %broadcast_in_dim3A_14 = vector.broadcast %scan3A_12 : i32 to vector<16xi32>
    %swap3A_15 = arith.constant 2048 : index
    %swap3A_16 = tpu.vector_load %arg5[%swap3A_15] {strides = array<i32>} : memref<2064xi32, #tpu.memory_space<vmem>>, vector<16xi32>,
    tpu.vector_store %arg5[%swap3A_15], %broadcast_in_dim3A_14 {strides = array<i32>} : memref<2064xi32, #tpu.memory_space<vmem>>, vector<16xi32>,
    %mul3A_17 = arith.constant 8192 : i32
    %mul3A_18 = arith.muli %add3A, %mul3A_17 : i32
    %scan3A_19 = arith.constant 0 : i32
    %scan3A_20 = arith.constant 0 : i32
    %scan3A_21 = arith.constant 512 : i32
    %scan3A_22 = arith.addi %scan3A_20, %scan3A_21 : i32
    %scan3A_23 = arith.constant 1 : i32
    %scan3A_24 = scf.for %scan3A_85 = %scan3A_20 to %scan3A_22 step %scan3A_23 iter_args(%scan3A_86 = %scan3A_19) -> (i32)  : i32 {
      %broadcast_in_dim3A_87 = arith.constant 0 : i32
      %broadcast_in_dim3A_88 = vector.broadcast %broadcast_in_dim3A_87 : i32 to vector<16xi32>
      %mul3A_89 = arith.constant 16 : i32
      %mul3A_90 = arith.muli %scan3A_85, %mul3A_89 : i32
      %swap3A_91 = arith.index_cast %mul3A_90 : i32 to index
      %swap3A_92 = tpu.vector_load %arg8[%swap3A_91] {strides = array<i32>} : memref<8192xi32, #tpu.memory_space<vmem>>, vector<16xi32>,
      tpu.vector_store %arg8[%swap3A_91], %broadcast_in_dim3A_88 {strides = array<i32>} : memref<8192xi32, #tpu.memory_space<vmem>>, vector<16xi32>,
      %scan3A_93 = arith.constant 0 : i32
      scf.yield %scan3A_93 : i32
    }
    %scan3A_25 = arith.constant 512 : i32
    %div3A = arith.divsi %mul3A_18, %scan3A_12 : i32
    %mul3A_26 = arith.muli %div3A, %scan3A_12 : i32
    %sub3A = arith.subi %mul3A_18, %mul3A_26 : i32
    %broadcast_in_dim3A_27 = vector.broadcast %sub3A : i32 to vector<16xi32>
    %broadcast_in_dim3A_28 = arith.constant 0 : i32
    %broadcast_in_dim3A_29 = vector.broadcast %broadcast_in_dim3A_28 : i32 to vector<16xi32>
    %broadcast_in_dim3A_30 = arith.constant 2048 : i32
    %broadcast_in_dim3A_31 = vector.broadcast %broadcast_in_dim3A_30 : i32 to vector<16xi32>
    %scan3A_32 = arith.constant 0 : i32
    %scan3A_33 = arith.constant 11 : i32
    %scan3A_34 = arith.addi %scan3A_32, %scan3A_33 : i32
    %scan3A_35 = arith.constant 1 : i32
    %scan3A_36:2 = scf.for %scan3A_85 = %scan3A_32 to %scan3A_34 step %scan3A_35 iter_args(%scan3A_86 = %broadcast_in_dim3A_29, %scan3A_87 = %broadcast_in_dim3A_31) -> (vector<16xi32>, vector<16xi32>)  : i32 {
      %add3A_88 = arith.addi %scan3A_86, %scan3A_87 : vector<16xi32>
      %div3A_89 = arith.constant 2 : i32
      %div3A_90 = vector.broadcast %div3A_89 : i32 to vector<16xi32>
      %div3A_91 = arith.divsi %add3A_88, %div3A_90 : vector<16xi32>
      %gather3A = tpu.vector_load_idx %arg5[%div3A_91] : memref<2064xi32, #tpu.memory_space<vmem>>[vector<16xi32>], vector<16xi32>,
      %le3A = arith.cmpi sle, %gather3A, %broadcast_in_dim3A_27 : vector<16xi32>
      %add3A_92 = arith.constant 1 : i32
      %add3A_93 = vector.broadcast %add3A_92 : i32 to vector<16xi32>
      %add3A_94 = arith.addi %div3A_91, %add3A_93 : vector<16xi32>
      %select_n3A_95 = arith.select %le3A, %add3A_94, %scan3A_86 : vector<16xi1>, vector<16xi32>
      %select_n3A_96 = arith.select %le3A, %scan3A_87, %div3A_91 : vector<16xi1>, vector<16xi32>
      scf.yield %select_n3A_95, %select_n3A_96 : vector<16xi32>, vector<16xi32>
    }
    %scan3A_37 = arith.constant 11 : i32
    %eq3A = arith.constant 0 : i32
    %eq3A_38 = vector.broadcast %eq3A : i32 to vector<16xi32>
    %eq3A_39 = arith.cmpi eq, %iota3A, %eq3A_38 : vector<16xi32>
    %sub3A_40 = arith.constant 1 : i32
    %sub3A_41 = vector.broadcast %sub3A_40 : i32 to vector<16xi32>
    %sub3A_42 = arith.subi %scan3A_36#0, %sub3A_41 : vector<16xi32>
    %jit3A = arith.constant 0 : i32
    %broadcast_in_dim3A_43 = vector.broadcast %jit3A : i32 to vector<16xi32>
    %select_n3A = arith.select %eq3A_39, %sub3A_42, %broadcast_in_dim3A_43 : vector<16xi1>, vector<16xi32>
    %reduce_sum3A = arith.constant true
    %reduce_sum3A_44 = vector.broadcast %reduce_sum3A : i1 to vector<16xi1>
    %reduce_sum3A_45 = tpu.scan <sum>, %select_n3A masked %reduce_sum3A_44 : vector<16xi32>, vector<16xi1> -> vector<16xi32>
    %reduce_sum3A_46 = vector.extract %reduce_sum3A_45[15] : i32 from vector<16xi32>
    %mul3A_47 = arith.constant 2048 : i32
    %mul3A_48 = arith.muli %div3A, %mul3A_47 : i32
    %add3A_49 = arith.addi %reduce_sum3A_46, %mul3A_48 : i32
    %add3A_50 = arith.constant 8192 : i32
    %add3A_51 = arith.addi %mul3A_18, %add3A_50 : i32
    %sub3A_52 = arith.constant 1 : i32
    %sub3A_53 = arith.subi %add3A_51, %sub3A_52 : i32
    %div3A_54 = arith.divsi %sub3A_53, %scan3A_12 : i32
    %gt3A = arith.constant 15 : i32
    %gt3A_55 = arith.cmpi sgt, %div3A_54, %gt3A : i32
    %jit3A_56 = arith.constant 15 : i32
    %select_n3A_57 = arith.select %gt3A_55, %jit3A_56, %div3A_54 : i32
    %add3A_58 = arith.constant 1 : i32
    %add3A_59 = arith.addi %select_n3A_57, %add3A_58 : i32
    %while3A = arith.constant 0 : i32
    %while3A_60 = arith.subi %add3A_59, %div3A : i32
    %while3A_61 = arith.addi %div3A, %while3A_60 : i32
    %while3A_62 = arith.constant 1 : i32
    %while3A_63 = arith.divsi %while3A_60, %while3A_62 : i32
    %while3A_64 = arith.muli %while3A_63, %while3A_62 : i32
    %while3A_65 = arith.addi %div3A, %while3A_64 : i32
    %while3A_66 = arith.constant 1 : i32
    %while3A_67 = scf.for %while3A_85 = %div3A to %while3A_65 step %while3A_66 iter_args(%while3A_86 = %while3A) -> (i32)  : i32 {
      %mul3A_87 = arith.muli %while3A_85, %scan3A_12 : i32
      %sub3A_88 = arith.subi %mul3A_87, %mul3A_18 : i32
      %scan3A_89 = arith.constant 0 : i32
      %scan3A_90 = arith.constant 0 : i32
      %scan3A_91 = arith.constant 128 : i32
      %scan3A_92 = arith.addi %scan3A_90, %scan3A_91 : i32
      %scan3A_93 = arith.constant 1 : i32
      %scan3A_94 = scf.for %scan3A_97 = %scan3A_90 to %scan3A_92 step %scan3A_93 iter_args(%scan3A_98 = %scan3A_89) -> (i32)  : i32 {
        %mul3A_99 = arith.constant 16 : i32
        %mul3A_100 = arith.muli %scan3A_97, %mul3A_99 : i32
        %get3A = arith.index_cast %mul3A_100 : i32 to index
        %get3A_101 = tpu.vector_load %arg5[%get3A] {strides = array<i32>} : memref<2064xi32, #tpu.memory_space<vmem>>, vector<16xi32>,
        %mul3A_102 = arith.constant 16 : i32
        %mul3A_103 = arith.muli %scan3A_97, %mul3A_102 : i32
        %add3A_104 = arith.constant 1 : i32
        %add3A_105 = arith.addi %mul3A_103, %add3A_104 : i32
        %get3A_106 = arith.index_cast %add3A_105 : i32 to index
        %get3A_107 = tpu.vector_load %arg5[%get3A_106] {strides = array<i32>} : memref<2064xi32, #tpu.memory_space<vmem>>, vector<16xi32>,
        %sub3A_108 = arith.subi %get3A_107, %get3A_101 : vector<16xi32>
        %add3A_109 = vector.broadcast %sub3A_88 : i32 to vector<16xi32>
        %add3A_110 = arith.addi %get3A_101, %add3A_109 : vector<16xi32>
        %ge3A = arith.constant 0 : i32
        %ge3A_111 = vector.broadcast %ge3A : i32 to vector<16xi32>
        %ge3A_112 = arith.cmpi sge, %add3A_110, %ge3A_111 : vector<16xi32>
        %lt3A = arith.constant 8192 : i32
        %lt3A_113 = vector.broadcast %lt3A : i32 to vector<16xi32>
        %lt3A_114 = arith.cmpi slt, %add3A_110, %lt3A_113 : vector<16xi32>
        %and3A = arith.andi %ge3A_112, %lt3A_114 : vector<16xi1>
        %gt3A_115 = arith.constant 0 : i32
        %gt3A_116 = vector.broadcast %gt3A_115 : i32 to vector<16xi32>
        %gt3A_117 = arith.cmpi sgt, %sub3A_108, %gt3A_116 : vector<16xi32>
        %and3A_118 = arith.andi %and3A, %gt3A_117 : vector<16xi1>
        %mul3A_119 = arith.constant 16 : i32
        %mul3A_120 = arith.muli %scan3A_97, %mul3A_119 : i32
        %add3A_121 = vector.broadcast %mul3A_120 : i32 to vector<16xi32>
        %add3A_122 = arith.addi %add3A_121, %iota3A : vector<16xi32>
        %mul3A_123 = arith.constant 2048 : i32
        %mul3A_124 = arith.muli %while3A_85, %mul3A_123 : i32
        %add3A_125 = vector.broadcast %mul3A_124 : i32 to vector<16xi32>
        %add3A_126 = arith.addi %add3A_122, %add3A_125 : vector<16xi32>
        %jit3A_127 = arith.constant 0 : i32
        %broadcast_in_dim3A_128 = vector.broadcast %jit3A_127 : i32 to vector<16xi32>
        %select_n3A_129 = arith.select %and3A_118, %add3A_110, %broadcast_in_dim3A_128 : vector<16xi1>, vector<16xi32>
        tpu.vector_store_idx %arg8[%select_n3A_129], %add3A_126 masked %and3A_118 : memref<8192xi32, #tpu.memory_space<vmem>>[vector<16xi32>], vector<16xi32>, vector<16xi1>
        %scan3A_130 = arith.constant 0 : i32
        scf.yield %scan3A_130 : i32
      }
      %scan3A_95 = arith.constant 128 : i32
      %while3A_96 = arith.constant 0 : i32
      scf.yield %while3A_96 : i32
    }
    %while3A_68 = arith.constant 1 : i32
    %while3A_69 = scf.for %while3A_85 = %while3A_65 to %while3A_61 step %while3A_68 iter_args(%while3A_86 = %while3A_67) -> (i32)  : i32 {
      %mul3A_87 = arith.muli %while3A_85, %scan3A_12 : i32
      %sub3A_88 = arith.subi %mul3A_87, %mul3A_18 : i32
      %scan3A_89 = arith.constant 0 : i32
      %scan3A_90 = arith.constant 0 : i32
      %scan3A_91 = arith.constant 128 : i32
      %scan3A_92 = arith.addi %scan3A_90, %scan3A_91 : i32
      %scan3A_93 = arith.constant 1 : i32
      %scan3A_94 = scf.for %scan3A_97 = %scan3A_90 to %scan3A_92 step %scan3A_93 iter_args(%scan3A_98 = %scan3A_89) -> (i32)  : i32 {
        %mul3A_99 = arith.constant 16 : i32
        %mul3A_100 = arith.muli %scan3A_97, %mul3A_99 : i32
        %get3A = arith.index_cast %mul3A_100 : i32 to index
        %get3A_101 = tpu.vector_load %arg5[%get3A] {strides = array<i32>} : memref<2064xi32, #tpu.memory_space<vmem>>, vector<16xi32>,
        %mul3A_102 = arith.constant 16 : i32
        %mul3A_103 = arith.muli %scan3A_97, %mul3A_102 : i32
        %add3A_104 = arith.constant 1 : i32
        %add3A_105 = arith.addi %mul3A_103, %add3A_104 : i32
        %get3A_106 = arith.index_cast %add3A_105 : i32 to index
        %get3A_107 = tpu.vector_load %arg5[%get3A_106] {strides = array<i32>} : memref<2064xi32, #tpu.memory_space<vmem>>, vector<16xi32>,
        %sub3A_108 = arith.subi %get3A_107, %get3A_101 : vector<16xi32>
        %add3A_109 = vector.broadcast %sub3A_88 : i32 to vector<16xi32>
        %add3A_110 = arith.addi %get3A_101, %add3A_109 : vector<16xi32>
        %ge3A = arith.constant 0 : i32
        %ge3A_111 = vector.broadcast %ge3A : i32 to vector<16xi32>
        %ge3A_112 = arith.cmpi sge, %add3A_110, %ge3A_111 : vector<16xi32>
        %lt3A = arith.constant 8192 : i32
        %lt3A_113 = vector.broadcast %lt3A : i32 to vector<16xi32>
        %lt3A_114 = arith.cmpi slt, %add3A_110, %lt3A_113 : vector<16xi32>
        %and3A = arith.andi %ge3A_112, %lt3A_114 : vector<16xi1>
        %gt3A_115 = arith.constant 0 : i32
        %gt3A_116 = vector.broadcast %gt3A_115 : i32 to vector<16xi32>
        %gt3A_117 = arith.cmpi sgt, %sub3A_108, %gt3A_116 : vector<16xi32>
        %and3A_118 = arith.andi %and3A, %gt3A_117 : vector<16xi1>
        %mul3A_119 = arith.constant 16 : i32
        %mul3A_120 = arith.muli %scan3A_97, %mul3A_119 : i32
        %add3A_121 = vector.broadcast %mul3A_120 : i32 to vector<16xi32>
        %add3A_122 = arith.addi %add3A_121, %iota3A : vector<16xi32>
        %mul3A_123 = arith.constant 2048 : i32
        %mul3A_124 = arith.muli %while3A_85, %mul3A_123 : i32
        %add3A_125 = vector.broadcast %mul3A_124 : i32 to vector<16xi32>
        %add3A_126 = arith.addi %add3A_122, %add3A_125 : vector<16xi32>
        %jit3A_127 = arith.constant 0 : i32
        %broadcast_in_dim3A_128 = vector.broadcast %jit3A_127 : i32 to vector<16xi32>
        %select_n3A_129 = arith.select %and3A_118, %add3A_110, %broadcast_in_dim3A_128 : vector<16xi1>, vector<16xi32>
        tpu.vector_store_idx %arg8[%select_n3A_129], %add3A_126 masked %and3A_118 : memref<8192xi32, #tpu.memory_space<vmem>>[vector<16xi32>], vector<16xi32>, vector<16xi1>
        %scan3A_130 = arith.constant 0 : i32
        scf.yield %scan3A_130 : i32
      }
      %scan3A_95 = arith.constant 128 : i32
      %while3A_96 = arith.constant 0 : i32
      scf.yield %while3A_96 : i32
    }
    %scan3A_70 = arith.constant 0 : i32
    %scan3A_71 = arith.constant 64 : i32
    %scan3A_72 = arith.addi %scan3A_70, %scan3A_71 : i32
    %scan3A_73 = arith.constant 1 : i32
    %scan3A_74 = scf.for %scan3A_85 = %scan3A_70 to %scan3A_72 step %scan3A_73 iter_args(%scan3A_86 = %add3A_49) -> (i32)  : i32 {
      %mul3A_87 = arith.constant 128 : i32
      %mul3A_88 = arith.muli %scan3A_85, %mul3A_87 : i32
      %add3A_89 = arith.constant 0 : i32
      %add3A_90 = arith.addi %mul3A_88, %add3A_89 : i32
      %get3A = arith.index_cast %add3A_90 : i32 to index
      %get3A_91 = tpu.vector_load %arg8[%get3A] {strides = array<i32>} : memref<8192xi32, #tpu.memory_space<vmem>>, vector<16xi32>,
      %broadcast_in_dim3A_92 = arith.constant true
      %broadcast_in_dim3A_93 = vector.broadcast %broadcast_in_dim3A_92 : i1 to vector<16xi1>
      %masked_cummax3A = arith.constant -2147483648 : i32
      %masked_cummax3A_94 = vector.broadcast %masked_cummax3A : i32 to vector<16xi32>
      %masked_cummax3A_95 = arith.xori %get3A_91, %masked_cummax3A_94 : vector<16xi32>
      %masked_cummax3A_96 = tpu.scan <max>, %masked_cummax3A_95 masked %broadcast_in_dim3A_93 : vector<16xi32>, vector<16xi1> -> vector<16xi32>
      %masked_cummax3A_97 = arith.xori %masked_cummax3A_96, %masked_cummax3A_94 : vector<16xi32>
      %reduce_max3A = arith.constant true
      %reduce_max3A_98 = vector.broadcast %reduce_max3A : i1 to vector<16xi1>
      %reduce_max3A_99 = arith.constant -2147483648 : i32
      %reduce_max3A_100 = vector.broadcast %reduce_max3A_99 : i32 to vector<16xi32>
      %reduce_max3A_101 = arith.xori %get3A_91, %reduce_max3A_100 : vector<16xi32>
      %reduce_max3A_102 = tpu.scan <max>, %reduce_max3A_101 masked %reduce_max3A_98 : vector<16xi32>, vector<16xi1> -> vector<16xi32>
      %reduce_max3A_103 = arith.xori %reduce_max3A_102, %reduce_max3A_100 : vector<16xi32>
      %reduce_max3A_104 = vector.extract %reduce_max3A_103[15] : i32 from vector<16xi32>
      %max3A = vector.broadcast %scan3A_86 : i32 to vector<16xi32>
      %max3A_105 = arith.maxsi %masked_cummax3A_97, %max3A : vector<16xi32>
      %swap3A_106 = arith.index_cast %add3A_90 : i32 to index
      %swap3A_107 = tpu.vector_load %arg8[%swap3A_106] {strides = array<i32>} : memref<8192xi32, #tpu.memory_space<vmem>>, vector<16xi32>,
      tpu.vector_store %arg8[%swap3A_106], %max3A_105 {strides = array<i32>} : memref<8192xi32, #tpu.memory_space<vmem>>, vector<16xi32>,
      %max3A_108 = arith.maxsi %scan3A_86, %reduce_max3A_104 : i32
      %mul3A_109 = arith.constant 128 : i32
      %mul3A_110 = arith.muli %scan3A_85, %mul3A_109 : i32
      %add3A_111 = arith.constant 16 : i32
      %add3A_112 = arith.addi %mul3A_110, %add3A_111 : i32
      %get3A_113 = arith.index_cast %add3A_112 : i32 to index
      %get3A_114 = tpu.vector_load %arg8[%get3A_113] {strides = array<i32>} : memref<8192xi32, #tpu.memory_space<vmem>>, vector<16xi32>,
      %broadcast_in_dim3A_115 = arith.constant true
      %broadcast_in_dim3A_116 = vector.broadcast %broadcast_in_dim3A_115 : i1 to vector<16xi1>
      %masked_cummax3A_117 = arith.constant -2147483648 : i32
      %masked_cummax3A_118 = vector.broadcast %masked_cummax3A_117 : i32 to vector<16xi32>
      %masked_cummax3A_119 = arith.xori %get3A_114, %masked_cummax3A_118 : vector<16xi32>
      %masked_cummax3A_120 = tpu.scan <max>, %masked_cummax3A_119 masked %broadcast_in_dim3A_116 : vector<16xi32>, vector<16xi1> -> vector<16xi32>
      %masked_cummax3A_121 = arith.xori %masked_cummax3A_120, %masked_cummax3A_118 : vector<16xi32>
      %reduce_max3A_122 = arith.constant true
      %reduce_max3A_123 = vector.broadcast %reduce_max3A_122 : i1 to vector<16xi1>
      %reduce_max3A_124 = arith.constant -2147483648 : i32
      %reduce_max3A_125 = vector.broadcast %reduce_max3A_124 : i32 to vector<16xi32>
      %reduce_max3A_126 = arith.xori %get3A_114, %reduce_max3A_125 : vector<16xi32>
      %reduce_max3A_127 = tpu.scan <max>, %reduce_max3A_126 masked %reduce_max3A_123 : vector<16xi32>, vector<16xi1> -> vector<16xi32>
      %reduce_max3A_128 = arith.xori %reduce_max3A_127, %reduce_max3A_125 : vector<16xi32>
      %reduce_max3A_129 = vector.extract %reduce_max3A_128[15] : i32 from vector<16xi32>
      %max3A_130 = vector.broadcast %max3A_108 : i32 to vector<16xi32>
      %max3A_131 = arith.maxsi %masked_cummax3A_121, %max3A_130 : vector<16xi32>
      %swap3A_132 = arith.index_cast %add3A_112 : i32 to index
      %swap3A_133 = tpu.vector_load %arg8[%swap3A_132] {strides = array<i32>} : memref<8192xi32, #tpu.memory_space<vmem>>, vector<16xi32>,
      tpu.vector_store %arg8[%swap3A_132], %max3A_131 {strides = array<i32>} : memref<8192xi32, #tpu.memory_space<vmem>>, vector<16xi32>,
      %max3A_134 = arith.maxsi %max3A_108, %reduce_max3A_129 : i32
      %mul3A_135 = arith.constant 128 : i32
      %mul3A_136 = arith.muli %scan3A_85, %mul3A_135 : i32
      %add3A_137 = arith.constant 32 : i32
      %add3A_138 = arith.addi %mul3A_136, %add3A_137 : i32
      %get3A_139 = arith.index_cast %add3A_138 : i32 to index
      %get3A_140 = tpu.vector_load %arg8[%get3A_139] {strides = array<i32>} : memref<8192xi32, #tpu.memory_space<vmem>>, vector<16xi32>,
      %broadcast_in_dim3A_141 = arith.constant true
      %broadcast_in_dim3A_142 = vector.broadcast %broadcast_in_dim3A_141 : i1 to vector<16xi1>
      %masked_cummax3A_143 = arith.constant -2147483648 : i32
      %masked_cummax3A_144 = vector.broadcast %masked_cummax3A_143 : i32 to vector<16xi32>
      %masked_cummax3A_145 = arith.xori %get3A_140, %masked_cummax3A_144 : vector<16xi32>
      %masked_cummax3A_146 = tpu.scan <max>, %masked_cummax3A_145 masked %broadcast_in_dim3A_142 : vector<16xi32>, vector<16xi1> -> vector<16xi32>
      %masked_cummax3A_147 = arith.xori %masked_cummax3A_146, %masked_cummax3A_144 : vector<16xi32>
      %reduce_max3A_148 = arith.constant true
      %reduce_max3A_149 = vector.broadcast %reduce_max3A_148 : i1 to vector<16xi1>
      %reduce_max3A_150 = arith.constant -2147483648 : i32
      %reduce_max3A_151 = vector.broadcast %reduce_max3A_150 : i32 to vector<16xi32>
      %reduce_max3A_152 = arith.xori %get3A_140, %reduce_max3A_151 : vector<16xi32>
      %reduce_max3A_153 = tpu.scan <max>, %reduce_max3A_152 masked %reduce_max3A_149 : vector<16xi32>, vector<16xi1> -> vector<16xi32>
      %reduce_max3A_154 = arith.xori %reduce_max3A_153, %reduce_max3A_151 : vector<16xi32>
      %reduce_max3A_155 = vector.extract %reduce_max3A_154[15] : i32 from vector<16xi32>
      %max3A_156 = vector.broadcast %max3A_134 : i32 to vector<16xi32>
      %max3A_157 = arith.maxsi %masked_cummax3A_147, %max3A_156 : vector<16xi32>
      %swap3A_158 = arith.index_cast %add3A_138 : i32 to index
      %swap3A_159 = tpu.vector_load %arg8[%swap3A_158] {strides = array<i32>} : memref<8192xi32, #tpu.memory_space<vmem>>, vector<16xi32>,
      tpu.vector_store %arg8[%swap3A_158], %max3A_157 {strides = array<i32>} : memref<8192xi32, #tpu.memory_space<vmem>>, vector<16xi32>,
      %max3A_160 = arith.maxsi %max3A_134, %reduce_max3A_155 : i32
      %mul3A_161 = arith.constant 128 : i32
      %mul3A_162 = arith.muli %scan3A_85, %mul3A_161 : i32
      %add3A_163 = arith.constant 48 : i32
      %add3A_164 = arith.addi %mul3A_162, %add3A_163 : i32
      %get3A_165 = arith.index_cast %add3A_164 : i32 to index
      %get3A_166 = tpu.vector_load %arg8[%get3A_165] {strides = array<i32>} : memref<8192xi32, #tpu.memory_space<vmem>>, vector<16xi32>,
      %broadcast_in_dim3A_167 = arith.constant true
      %broadcast_in_dim3A_168 = vector.broadcast %broadcast_in_dim3A_167 : i1 to vector<16xi1>
      %masked_cummax3A_169 = arith.constant -2147483648 : i32
      %masked_cummax3A_170 = vector.broadcast %masked_cummax3A_169 : i32 to vector<16xi32>
      %masked_cummax3A_171 = arith.xori %get3A_166, %masked_cummax3A_170 : vector<16xi32>
      %masked_cummax3A_172 = tpu.scan <max>, %masked_cummax3A_171 masked %broadcast_in_dim3A_168 : vector<16xi32>, vector<16xi1> -> vector<16xi32>
      %masked_cummax3A_173 = arith.xori %masked_cummax3A_172, %masked_cummax3A_170 : vector<16xi32>
      %reduce_max3A_174 = arith.constant true
      %reduce_max3A_175 = vector.broadcast %reduce_max3A_174 : i1 to vector<16xi1>
      %reduce_max3A_176 = arith.constant -2147483648 : i32
      %reduce_max3A_177 = vector.broadcast %reduce_max3A_176 : i32 to vector<16xi32>
      %reduce_max3A_178 = arith.xori %get3A_166, %reduce_max3A_177 : vector<16xi32>
      %reduce_max3A_179 = tpu.scan <max>, %reduce_max3A_178 masked %reduce_max3A_175 : vector<16xi32>, vector<16xi1> -> vector<16xi32>
      %reduce_max3A_180 = arith.xori %reduce_max3A_179, %reduce_max3A_177 : vector<16xi32>
      %reduce_max3A_181 = vector.extract %reduce_max3A_180[15] : i32 from vector<16xi32>
      %max3A_182 = vector.broadcast %max3A_160 : i32 to vector<16xi32>
      %max3A_183 = arith.maxsi %masked_cummax3A_173, %max3A_182 : vector<16xi32>
      %swap3A_184 = arith.index_cast %add3A_164 : i32 to index
      %swap3A_185 = tpu.vector_load %arg8[%swap3A_184] {strides = array<i32>} : memref<8192xi32, #tpu.memory_space<vmem>>, vector<16xi32>,
      tpu.vector_store %arg8[%swap3A_184], %max3A_183 {strides = array<i32>} : memref<8192xi32, #tpu.memory_space<vmem>>, vector<16xi32>,
      %max3A_186 = arith.maxsi %max3A_160, %reduce_max3A_181 : i32
      %mul3A_187 = arith.constant 128 : i32
      %mul3A_188 = arith.muli %scan3A_85, %mul3A_187 : i32
      %add3A_189 = arith.constant 64 : i32
      %add3A_190 = arith.addi %mul3A_188, %add3A_189 : i32
      %get3A_191 = arith.index_cast %add3A_190 : i32 to index
      %get3A_192 = tpu.vector_load %arg8[%get3A_191] {strides = array<i32>} : memref<8192xi32, #tpu.memory_space<vmem>>, vector<16xi32>,
      %broadcast_in_dim3A_193 = arith.constant true
      %broadcast_in_dim3A_194 = vector.broadcast %broadcast_in_dim3A_193 : i1 to vector<16xi1>
      %masked_cummax3A_195 = arith.constant -2147483648 : i32
      %masked_cummax3A_196 = vector.broadcast %masked_cummax3A_195 : i32 to vector<16xi32>
      %masked_cummax3A_197 = arith.xori %get3A_192, %masked_cummax3A_196 : vector<16xi32>
      %masked_cummax3A_198 = tpu.scan <max>, %masked_cummax3A_197 masked %broadcast_in_dim3A_194 : vector<16xi32>, vector<16xi1> -> vector<16xi32>
      %masked_cummax3A_199 = arith.xori %masked_cummax3A_198, %masked_cummax3A_196 : vector<16xi32>
      %reduce_max3A_200 = arith.constant true
      %reduce_max3A_201 = vector.broadcast %reduce_max3A_200 : i1 to vector<16xi1>
      %reduce_max3A_202 = arith.constant -2147483648 : i32
      %reduce_max3A_203 = vector.broadcast %reduce_max3A_202 : i32 to vector<16xi32>
      %reduce_max3A_204 = arith.xori %get3A_192, %reduce_max3A_203 : vector<16xi32>
      %reduce_max3A_205 = tpu.scan <max>, %reduce_max3A_204 masked %reduce_max3A_201 : vector<16xi32>, vector<16xi1> -> vector<16xi32>
      %reduce_max3A_206 = arith.xori %reduce_max3A_205, %reduce_max3A_203 : vector<16xi32>
      %reduce_max3A_207 = vector.extract %reduce_max3A_206[15] : i32 from vector<16xi32>
      %max3A_208 = vector.broadcast %max3A_186 : i32 to vector<16xi32>
      %max3A_209 = arith.maxsi %masked_cummax3A_199, %max3A_208 : vector<16xi32>
      %swap3A_210 = arith.index_cast %add3A_190 : i32 to index
      %swap3A_211 = tpu.vector_load %arg8[%swap3A_210] {strides = array<i32>} : memref<8192xi32, #tpu.memory_space<vmem>>, vector<16xi32>,
      tpu.vector_store %arg8[%swap3A_210], %max3A_209 {strides = array<i32>} : memref<8192xi32, #tpu.memory_space<vmem>>, vector<16xi32>,
      %max3A_212 = arith.maxsi %max3A_186, %reduce_max3A_207 : i32
      %mul3A_213 = arith.constant 128 : i32
      %mul3A_214 = arith.muli %scan3A_85, %mul3A_213 : i32
      %add3A_215 = arith.constant 80 : i32
      %add3A_216 = arith.addi %mul3A_214, %add3A_215 : i32
      %get3A_217 = arith.index_cast %add3A_216 : i32 to index
      %get3A_218 = tpu.vector_load %arg8[%get3A_217] {strides = array<i32>} : memref<8192xi32, #tpu.memory_space<vmem>>, vector<16xi32>,
      %broadcast_in_dim3A_219 = arith.constant true
      %broadcast_in_dim3A_220 = vector.broadcast %broadcast_in_dim3A_219 : i1 to vector<16xi1>
      %masked_cummax3A_221 = arith.constant -2147483648 : i32
      %masked_cummax3A_222 = vector.broadcast %masked_cummax3A_221 : i32 to vector<16xi32>
      %masked_cummax3A_223 = arith.xori %get3A_218, %masked_cummax3A_222 : vector<16xi32>
      %masked_cummax3A_224 = tpu.scan <max>, %masked_cummax3A_223 masked %broadcast_in_dim3A_220 : vector<16xi32>, vector<16xi1> -> vector<16xi32>
      %masked_cummax3A_225 = arith.xori %masked_cummax3A_224, %masked_cummax3A_222 : vector<16xi32>
      %reduce_max3A_226 = arith.constant true
      %reduce_max3A_227 = vector.broadcast %reduce_max3A_226 : i1 to vector<16xi1>
      %reduce_max3A_228 = arith.constant -2147483648 : i32
      %reduce_max3A_229 = vector.broadcast %reduce_max3A_228 : i32 to vector<16xi32>
      %reduce_max3A_230 = arith.xori %get3A_218, %reduce_max3A_229 : vector<16xi32>
      %reduce_max3A_231 = tpu.scan <max>, %reduce_max3A_230 masked %reduce_max3A_227 : vector<16xi32>, vector<16xi1> -> vector<16xi32>
      %reduce_max3A_232 = arith.xori %reduce_max3A_231, %reduce_max3A_229 : vector<16xi32>
      %reduce_max3A_233 = vector.extract %reduce_max3A_232[15] : i32 from vector<16xi32>
      %max3A_234 = vector.broadcast %max3A_212 : i32 to vector<16xi32>
      %max3A_235 = arith.maxsi %masked_cummax3A_225, %max3A_234 : vector<16xi32>
      %swap3A_236 = arith.index_cast %add3A_216 : i32 to index
      %swap3A_237 = tpu.vector_load %arg8[%swap3A_236] {strides = array<i32>} : memref<8192xi32, #tpu.memory_space<vmem>>, vector<16xi32>,
      tpu.vector_store %arg8[%swap3A_236], %max3A_235 {strides = array<i32>} : memref<8192xi32, #tpu.memory_space<vmem>>, vector<16xi32>,
      %max3A_238 = arith.maxsi %max3A_212, %reduce_max3A_233 : i32
      %mul3A_239 = arith.constant 128 : i32
      %mul3A_240 = arith.muli %scan3A_85, %mul3A_239 : i32
      %add3A_241 = arith.constant 96 : i32
      %add3A_242 = arith.addi %mul3A_240, %add3A_241 : i32
      %get3A_243 = arith.index_cast %add3A_242 : i32 to index
      %get3A_244 = tpu.vector_load %arg8[%get3A_243] {strides = array<i32>} : memref<8192xi32, #tpu.memory_space<vmem>>, vector<16xi32>,
      %broadcast_in_dim3A_245 = arith.constant true
      %broadcast_in_dim3A_246 = vector.broadcast %broadcast_in_dim3A_245 : i1 to vector<16xi1>
      %masked_cummax3A_247 = arith.constant -2147483648 : i32
      %masked_cummax3A_248 = vector.broadcast %masked_cummax3A_247 : i32 to vector<16xi32>
      %masked_cummax3A_249 = arith.xori %get3A_244, %masked_cummax3A_248 : vector<16xi32>
      %masked_cummax3A_250 = tpu.scan <max>, %masked_cummax3A_249 masked %broadcast_in_dim3A_246 : vector<16xi32>, vector<16xi1> -> vector<16xi32>
      %masked_cummax3A_251 = arith.xori %masked_cummax3A_250, %masked_cummax3A_248 : vector<16xi32>
      %reduce_max3A_252 = arith.constant true
      %reduce_max3A_253 = vector.broadcast %reduce_max3A_252 : i1 to vector<16xi1>
      %reduce_max3A_254 = arith.constant -2147483648 : i32
      %reduce_max3A_255 = vector.broadcast %reduce_max3A_254 : i32 to vector<16xi32>
      %reduce_max3A_256 = arith.xori %get3A_244, %reduce_max3A_255 : vector<16xi32>
      %reduce_max3A_257 = tpu.scan <max>, %reduce_max3A_256 masked %reduce_max3A_253 : vector<16xi32>, vector<16xi1> -> vector<16xi32>
      %reduce_max3A_258 = arith.xori %reduce_max3A_257, %reduce_max3A_255 : vector<16xi32>
      %reduce_max3A_259 = vector.extract %reduce_max3A_258[15] : i32 from vector<16xi32>
      %max3A_260 = vector.broadcast %max3A_238 : i32 to vector<16xi32>
      %max3A_261 = arith.maxsi %masked_cummax3A_251, %max3A_260 : vector<16xi32>
      %swap3A_262 = arith.index_cast %add3A_242 : i32 to index
      %swap3A_263 = tpu.vector_load %arg8[%swap3A_262] {strides = array<i32>} : memref<8192xi32, #tpu.memory_space<vmem>>, vector<16xi32>,
      tpu.vector_store %arg8[%swap3A_262], %max3A_261 {strides = array<i32>} : memref<8192xi32, #tpu.memory_space<vmem>>, vector<16xi32>,
      %max3A_264 = arith.maxsi %max3A_238, %reduce_max3A_259 : i32
      %mul3A_265 = arith.constant 128 : i32
      %mul3A_266 = arith.muli %scan3A_85, %mul3A_265 : i32
      %add3A_267 = arith.constant 112 : i32
      %add3A_268 = arith.addi %mul3A_266, %add3A_267 : i32
      %get3A_269 = arith.index_cast %add3A_268 : i32 to index
      %get3A_270 = tpu.vector_load %arg8[%get3A_269] {strides = array<i32>} : memref<8192xi32, #tpu.memory_space<vmem>>, vector<16xi32>,
      %broadcast_in_dim3A_271 = arith.constant true
      %broadcast_in_dim3A_272 = vector.broadcast %broadcast_in_dim3A_271 : i1 to vector<16xi1>
      %masked_cummax3A_273 = arith.constant -2147483648 : i32
      %masked_cummax3A_274 = vector.broadcast %masked_cummax3A_273 : i32 to vector<16xi32>
      %masked_cummax3A_275 = arith.xori %get3A_270, %masked_cummax3A_274 : vector<16xi32>
      %masked_cummax3A_276 = tpu.scan <max>, %masked_cummax3A_275 masked %broadcast_in_dim3A_272 : vector<16xi32>, vector<16xi1> -> vector<16xi32>
      %masked_cummax3A_277 = arith.xori %masked_cummax3A_276, %masked_cummax3A_274 : vector<16xi32>
      %reduce_max3A_278 = arith.constant true
      %reduce_max3A_279 = vector.broadcast %reduce_max3A_278 : i1 to vector<16xi1>
      %reduce_max3A_280 = arith.constant -2147483648 : i32
      %reduce_max3A_281 = vector.broadcast %reduce_max3A_280 : i32 to vector<16xi32>
      %reduce_max3A_282 = arith.xori %get3A_270, %reduce_max3A_281 : vector<16xi32>
      %reduce_max3A_283 = tpu.scan <max>, %reduce_max3A_282 masked %reduce_max3A_279 : vector<16xi32>, vector<16xi1> -> vector<16xi32>
      %reduce_max3A_284 = arith.xori %reduce_max3A_283, %reduce_max3A_281 : vector<16xi32>
      %reduce_max3A_285 = vector.extract %reduce_max3A_284[15] : i32 from vector<16xi32>
      %max3A_286 = vector.broadcast %max3A_264 : i32 to vector<16xi32>
      %max3A_287 = arith.maxsi %masked_cummax3A_277, %max3A_286 : vector<16xi32>
      %swap3A_288 = arith.index_cast %add3A_268 : i32 to index
      %swap3A_289 = tpu.vector_load %arg8[%swap3A_288] {strides = array<i32>} : memref<8192xi32, #tpu.memory_space<vmem>>, vector<16xi32>,
      tpu.vector_store %arg8[%swap3A_288], %max3A_287 {strides = array<i32>} : memref<8192xi32, #tpu.memory_space<vmem>>, vector<16xi32>,
      %max3A_290 = arith.maxsi %max3A_264, %reduce_max3A_285 : i32
      scf.yield %max3A_290 : i32
    }
    %scan3A_75 = arith.constant 64 : i32
    %scan3A_76 = arith.constant 0 : i32
    %scan3A_77 = arith.constant 0 : i32
    %scan3A_78 = arith.constant 512 : i32
    %scan3A_79 = arith.addi %scan3A_77, %scan3A_78 : i32
    %scan3A_80 = arith.constant 1 : i32
    %scan3A_81 = scf.for %scan3A_85 = %scan3A_77 to %scan3A_79 step %scan3A_80 iter_args(%scan3A_86 = %scan3A_76) -> (i32)  : i32 {
      %mul3A_87 = arith.constant 16 : i32
      %mul3A_88 = arith.muli %scan3A_85, %mul3A_87 : i32
      %add3A_89 = arith.addi %mul3A_18, %mul3A_88 : i32
      %add3A_90 = vector.broadcast %add3A_89 : i32 to vector<16xi32>
      %add3A_91 = arith.addi %add3A_90, %iota3A : vector<16xi32>
      %div3A_92 = vector.broadcast %scan3A_12 : i32 to vector<16xi32>
      %div3A_93 = arith.divsi %add3A_91, %div3A_92 : vector<16xi32>
      %mul3A_94 = vector.broadcast %scan3A_12 : i32 to vector<16xi32>
      %mul3A_95 = arith.muli %div3A_93, %mul3A_94 : vector<16xi32>
      %sub3A_96 = arith.subi %add3A_91, %mul3A_95 : vector<16xi32>
      %lt3A = arith.constant 16 : i32
      %lt3A_97 = vector.broadcast %lt3A : i32 to vector<16xi32>
      %lt3A_98 = arith.cmpi slt, %div3A_93, %lt3A_97 : vector<16xi32>
      %mul3A_99 = arith.constant 16 : i32
      %mul3A_100 = arith.muli %scan3A_85, %mul3A_99 : i32
      %get3A = arith.index_cast %mul3A_100 : i32 to index
      %get3A_101 = tpu.vector_load %arg8[%get3A] {strides = array<i32>} : memref<8192xi32, #tpu.memory_space<vmem>>, vector<16xi32>,
      %mul3A_102 = arith.constant 2048 : i32
      %mul3A_103 = vector.broadcast %mul3A_102 : i32 to vector<16xi32>
      %mul3A_104 = arith.muli %div3A_93, %mul3A_103 : vector<16xi32>
      %sub3A_105 = arith.subi %get3A_101, %mul3A_104 : vector<16xi32>
      %gather3A = tpu.vector_load_idx %arg5[%sub3A_105] : memref<2064xi32, #tpu.memory_space<vmem>>[vector<16xi32>], vector<16xi32>,
      %sub3A_106 = arith.subi %sub3A_96, %gather3A : vector<16xi32>
      %add3A_107 = arith.constant 1 : i32
      %add3A_108 = vector.broadcast %add3A_107 : i32 to vector<16xi32>
      %add3A_109 = arith.addi %sub3A_106, %add3A_108 : vector<16xi32>
      %mul3A_110 = arith.constant 2048 : i32
      %mul3A_111 = vector.broadcast %mul3A_110 : i32 to vector<16xi32>
      %mul3A_112 = arith.muli %div3A_93, %mul3A_111 : vector<16xi32>
      %sub3A_113 = arith.subi %sub3A_105, %add3A_109 : vector<16xi32>
      %add3A_114 = arith.addi %sub3A_113, %mul3A_112 : vector<16xi32>
      %jit3A_115 = arith.constant 1 : i32
      %broadcast_in_dim3A_116 = vector.broadcast %jit3A_115 : i32 to vector<16xi32>
      %select_n3A_117 = arith.select %lt3A_98, %add3A_114, %broadcast_in_dim3A_116 : vector<16xi1>, vector<16xi32>
      %mul3A_118 = arith.constant 16 : i32
      %mul3A_119 = arith.muli %scan3A_85, %mul3A_118 : i32
      %swap3A_120 = arith.index_cast %mul3A_119 : i32 to index
      %swap3A_121 = tpu.vector_load %arg6[%swap3A_120] {strides = array<i32>} : memref<8192xi32, #tpu.memory_space<vmem>>, vector<16xi32>,
      tpu.vector_store %arg6[%swap3A_120], %select_n3A_117 {strides = array<i32>} : memref<8192xi32, #tpu.memory_space<vmem>>, vector<16xi32>,
      %add3A_122 = arith.addi %sub3A_105, %mul3A_112 : vector<16xi32>
      %jit3A_123 = arith.constant 0 : i32
      %broadcast_in_dim3A_124 = vector.broadcast %jit3A_123 : i32 to vector<16xi32>
      %select_n3A_125 = arith.select %lt3A_98, %add3A_122, %broadcast_in_dim3A_124 : vector<16xi1>, vector<16xi32>
      %mul3A_126 = arith.constant 16 : i32
      %mul3A_127 = arith.muli %scan3A_85, %mul3A_126 : i32
      %swap3A_128 = arith.index_cast %mul3A_127 : i32 to index
      %swap3A_129 = tpu.vector_load %arg7[%swap3A_128] {strides = array<i32>} : memref<8192xi32, #tpu.memory_space<vmem>>, vector<16xi32>,
      tpu.vector_store %arg7[%swap3A_128], %select_n3A_125 {strides = array<i32>} : memref<8192xi32, #tpu.memory_space<vmem>>, vector<16xi32>,
      %scan3A_130 = arith.constant 0 : i32
      scf.yield %scan3A_130 : i32
    }
    %scan3A_82 = arith.constant 512 : i32
    "tpu.region"() ({
      %run_scoped3A = tpu.sem_alloc : memref<!tpu.dma_semaphore, #tpu.memory_space<semaphore_mem>>
      %dma_start3A = tpu.memref_slice %arg3[%mul3A_18] : memref<524288xi32, #tpu.memory_space<hbm>> -> memref<8192xi32, #tpu.memory_space<hbm>>
      %dma_start3A_85 = tpu.memref_slice %arg3[%mul3A_18] : memref<524288xi32, #tpu.memory_space<hbm>> -> memref<8192xi32, #tpu.memory_space<hbm>>
      tpu.enqueue_dma source(%arg6 : memref<8192xi32, #tpu.memory_space<vmem>>) target(%dma_start3A_85 : memref<8192xi32, #tpu.memory_space<hbm>>) target_semaphore(%run_scoped3A : memref<!tpu.dma_semaphore, #tpu.memory_space<semaphore_mem>>)
      %dma_wait3A = tpu.memref_slice %arg3[%mul3A_18] : memref<524288xi32, #tpu.memory_space<hbm>> -> memref<8192xi32, #tpu.memory_space<hbm>>
      %dma_wait3A_86 = tpu.memref_slice %arg3[%mul3A_18] : memref<524288xi32, #tpu.memory_space<hbm>> -> memref<8192xi32, #tpu.memory_space<hbm>>
      tpu.wait_dma2 semaphore(%run_scoped3A : memref<!tpu.dma_semaphore, #tpu.memory_space<semaphore_mem>>) src(%arg6 : memref<8192xi32, #tpu.memory_space<vmem>>) dst(%dma_wait3A_86 : memref<8192xi32, #tpu.memory_space<hbm>>)
      tpu.yield
    }) : () -> ()
    %add3A_83 = arith.constant 262144 : i32
    %add3A_84 = arith.addi %add3A_83, %mul3A_18 : i32
    "tpu.region"() ({
      %run_scoped3A = tpu.sem_alloc : memref<!tpu.dma_semaphore, #tpu.memory_space<semaphore_mem>>
      %dma_start3A = tpu.memref_slice %arg3[%add3A_84] : memref<524288xi32, #tpu.memory_space<hbm>> -> memref<8192xi32, #tpu.memory_space<hbm>>
      %dma_start3A_85 = tpu.memref_slice %arg3[%add3A_84] : memref<524288xi32, #tpu.memory_space<hbm>> -> memref<8192xi32, #tpu.memory_space<hbm>>
      tpu.enqueue_dma source(%arg7 : memref<8192xi32, #tpu.memory_space<vmem>>) target(%dma_start3A_85 : memref<8192xi32, #tpu.memory_space<hbm>>) target_semaphore(%run_scoped3A : memref<!tpu.dma_semaphore, #tpu.memory_space<semaphore_mem>>)
      %dma_wait3A = tpu.memref_slice %arg3[%add3A_84] : memref<524288xi32, #tpu.memory_space<hbm>> -> memref<8192xi32, #tpu.memory_space<hbm>>
      %dma_wait3A_86 = tpu.memref_slice %arg3[%add3A_84] : memref<524288xi32, #tpu.memory_space<hbm>> -> memref<8192xi32, #tpu.memory_space<hbm>>
      tpu.wait_dma2 semaphore(%run_scoped3A : memref<!tpu.dma_semaphore, #tpu.memory_space<semaphore_mem>>) src(%arg7 : memref<8192xi32, #tpu.memory_space<vmem>>) dst(%dma_wait3A_86 : memref<8192xi32, #tpu.memory_space<hbm>>)
      tpu.yield
    }) : () -> ()
    return
  }
}

module attributes {stable_mosaic.version = 14 : i64} {
  func.func @_tc_body(%arg0: i32, %arg1: memref<1x25x2048xf32, #tpu.memory_space<vmem>>, %arg2: memref<1x25x2048xf32, #tpu.memory_space<vmem>>, %arg3: memref<2048x25xf32, #tpu.memory_space<vmem>>, %arg4: memref<2048x25xf32, #tpu.memory_space<vmem>>) attributes {dimension_semantics = [#tpu.dimension_semantics<arbitrary>], iteration_bounds = array<i64: 16>, scalar_prefetch = 0 : i64, scratch_operands = 0 : i64, tpu.core_type = #tpu.core_type<tc>, window_params = [{transform_indices = @transform_0, window_bounds = array<i64: 1, 25, 2048>}, {transform_indices = @transform_1, window_bounds = array<i64: 1, 25, 2048>}, {transform_indices = @transform_2, window_bounds = array<i64: 2048, 25>}, {transform_indices = @transform_3, window_bounds = array<i64: 2048, 25>}]} {
    %get3A = arith.constant 0 : index
    %get3A_0 = arith.constant 0 : index
    %get3A_1 = arith.constant 0 : index
    %get3A_2 = vector.load %arg1[%get3A, %get3A_0, %get3A_1] : memref<1x25x2048xf32, #tpu.memory_space<vmem>>, vector<1x25x2048xf32>
    %get3A_3 = vector.shape_cast %get3A_2 : vector<1x25x2048xf32> to vector<25x2048xf32>
    %transpose3A = tpu.transpose %get3A_3, [1, 0] : vector<25x2048xf32> -> vector<2048x25xf32>
    %swap3A = arith.constant 0 : index
    %swap3A_4 = arith.constant 0 : index
    %swap3A_5 = vector.load %arg3[%swap3A, %swap3A_4] : memref<2048x25xf32, #tpu.memory_space<vmem>>, vector<2048x25xf32>
    tpu.vector_store %arg3[%swap3A, %swap3A_4], %transpose3A {strides = array<i32>} : memref<2048x25xf32, #tpu.memory_space<vmem>>, vector<2048x25xf32>,
    %get3A_6 = arith.constant 0 : index
    %get3A_7 = arith.constant 0 : index
    %get3A_8 = arith.constant 0 : index
    %get3A_9 = vector.load %arg2[%get3A_6, %get3A_7, %get3A_8] : memref<1x25x2048xf32, #tpu.memory_space<vmem>>, vector<1x25x2048xf32>
    %get3A_10 = vector.shape_cast %get3A_9 : vector<1x25x2048xf32> to vector<25x2048xf32>
    %transpose3A_11 = tpu.transpose %get3A_10, [1, 0] : vector<25x2048xf32> -> vector<2048x25xf32>
    %swap3A_12 = arith.constant 0 : index
    %swap3A_13 = arith.constant 0 : index
    %swap3A_14 = vector.load %arg4[%swap3A_12, %swap3A_13] : memref<2048x25xf32, #tpu.memory_space<vmem>>, vector<2048x25xf32>
    tpu.vector_store %arg4[%swap3A_12, %swap3A_13], %transpose3A_11 {strides = array<i32>} : memref<2048x25xf32, #tpu.memory_space<vmem>>, vector<2048x25xf32>,
    return
  }
  func.func @transform_0(%arg0: i32) -> (i32, i32, i32) {
    %c0_i32 = arith.constant 0 : i32
    %c0_i32_0 = arith.constant 0 : i32
    %c0_i32_1 = arith.constant 0 : i32
    return %arg0, %c0_i32, %c0_i32_0 : i32, i32, i32
  }
  func.func @transform_1(%arg0: i32) -> (i32, i32, i32) {
    %c0_i32 = arith.constant 0 : i32
    %c0_i32_0 = arith.constant 0 : i32
    %c0_i32_1 = arith.constant 0 : i32
    return %arg0, %c0_i32, %c0_i32_0 : i32, i32, i32
  }
  func.func @transform_2(%arg0: i32) -> (i32, i32) {
    %c0_i32 = arith.constant 0 : i32
    %c0_i32_0 = arith.constant 0 : i32
    return %arg0, %c0_i32 : i32, i32
  }
  func.func @transform_3(%arg0: i32) -> (i32, i32) {
    %c0_i32 = arith.constant 0 : i32
    %c0_i32_0 = arith.constant 0 : i32
    return %arg0, %c0_i32 : i32, i32
  }
}

</mosaic_0001>

<sc_bundles>
// kernel: kernel.4.cloned.1.call-start
scs
__scs_entry_jumppad:
0x0: {  	(pc) =	sbr.rel $0x88, $3  }
0x1: {  	(tag) =	ssettag $0x0;
	lr =	simm.s32 $0x1  }
0x2: {  	[smem:$0x3F9D] =	sst lr;
	_ =	strace $0xD0000000  }
0x3: {  	_ = 	snop  }
0x4: {  	_ = 	snop  }
0x5: {  	_ = 	snop  }
0x6: {  	_ = 	snop  }
0x7: {  	_ = 	snop  }
__scs_overlays_trampoline_lowered:
0x8: {  	[smem:$0x3FAC] =	sst s0  }
0x9: {  	[smem:$0x3FAD] =	sst s1  }
0xa: {  	[smem:$0x3FAE] =	sst s2  }
0xb: {  	[smem:$0x3FAF] =	sst s3  }
0xc: {  	[smem:$0x3FB0] =	sst s4  }
0xd: {  	[smem:$0x3FB1] =	sst s5  }
0xe: {  	[smem:$0x3FB2] =	sst s6  }
0xf: {  	[smem:$0x3FB3] =	sst s7  }
0x10: {  	[smem:$0x3FB4] =	sst s8  }
0x11: {  	[smem:$0x3FB5] =	sst s9;
	s0 =	simm.s32 @!p0 $0x0  }
0x12: {  	s1 =	sld [smem:$0x3F9B];
	s0 =	simm.s32 @p0 $0x1  }
0x13: {  	[smem:$0x3FB6] =	sst s0;
	s0 =	simm.s32 @!p1 $0x0  }
0x14: {  	s2 =	sld [smem:$0x3F9A];
	s0 =	simm.s32 @p1 $0x1  }
0x15: {  	[smem:$0x3FB7] =	sst s0;
	s0 =	simm.s32 @!p2 $0x0  }
0x16: {  	s3 =	sld [smem:$0x3FDB];
	s0 =	simm.s32 @p2 $0x1  }
0x17: {  	s4 =	simm.s32 $0x1BF5;
	[smem:$0x3FB9] =	sst s0  }
0x18: {  	s0 =	sld [smem:$0x3F9C];
	_ =	swait.ge [sflag:s4], $0x0  }
0x19: {  	s7 =	sld [smem:$0x3F9D]  }
0x1a: {  	s8 =	sadd.s32 $0xFFFFE003, lr  }
0x1b: {  	s9 =	sadd.s32 $0xFFFFFEF7, lr;
	s5 =	simm.s32 $0xFFFFFFFF;
	p2 =	slt.u32 s8, $0xFFFFF086  }
0x1c: {  	p1 =	slt.u32 s9, $0xF7A;
	s5 =	simm.s32 @!p2 $0x0  }
0x1d: {  	s5 =	simm.s32 @p1 $0x1;
	p0 =	seq.s32 s7, s2  }
0x1e: {  	s7 =	smul.u32 @!p0 $0xF7A, s2;
	p2 =	seq.s32 @!p0 s5, $0x0  }
0x1f: {  	s9 =	smul.u32 $0xF7A, s1;
	s8 =	simm.s32 @!p0 $0x1BF5;
	p2 =	por !p2, p0  }
0x20: {  	[sflag:s8] =	ssyncset.s32 @!p0 $0xFFFFF086;
	s6 =	sadd.s32 @!p0 s3, s7;
	s7 =	simm.s32 @!p0 $0x108  }
0x21: {  	s3 =	sadd.s32 s3, s9;
	s6 =	sadd.s32 @!p0 $0x88, s6;
	s7 =	simm.s32 @p2 $0x1082  }
0x22: {  	[simem:s7], [sflag:s8] =	dma.local @!p0 [hbm:s6], $0xF7A  }
0x23: {  	s9 =	sor.u32 $0xD0000000, s2;
	s6 =	simm.s32 $0x108;
	_ =	swait.ge @!p0 [sflag:s8], $0x0  }
0x24: {  	s3 =	sadd.s32 $0x88, s3;
	s6 =	simm.s32 @!p1 $0x1082;
	[sflag:s4] =	ssyncset.s32 $0xFFFFF086  }
0x25: {  	[simem:s6], [sflag:s4] =	dma.local [hbm:s3], $0xF7A  }
0x26: {  	[smem:$0x3F9D] =	sst s1;
	(tag) =	ssettag s2;
	_ =	strace s9  }
0x27: {  	s1 =	sld [smem:$0x3FAD]  }
0x28: {  	s2 =	sld [smem:$0x3FAE]  }
0x29: {  	s4 =	sld [smem:$0x3FB0]  }
0x2a: {  	p0 =	seq.s32 s5, $0x0;
	s5 =	sld [smem:$0x3FB1]  }
0x2b: {  	s6 =	sld [smem:$0x3FB2]  }
0x2c: {  	s7 =	sld [smem:$0x3FB3]  }
0x2d: {  	s3 =	simm.s32 $0x108;
	s8 =	sld [smem:$0x3FB4]  }
0x2e: {  	s3 =	simm.s32 @!p0 $0x1082;
	s9 =	sld [smem:$0x3FB5]  }
0x2f: {  	lr =	sadd.s32 s0, s3;
	s0 =	sld [smem:$0x3FAC]  }
0x30: {  	s3 =	sld [smem:$0x3FAF]  }
0x31: {  	[smem:$0x3FB8] =	sst s10  }
0x32: {  	s10 =	sld [smem:$0x3FB6];
	_ =	sdelay $0x3  }
0x33: {  	p0 =	seq.s32 s10, $0x1;
	s10 =	sld [smem:$0x3FB8];
	_ =	sdelay $0x3  }
0x34: {  	[smem:$0x3FB8] =	sst s10  }
0x35: {  	s10 =	sld [smem:$0x3FB7];
	_ =	sdelay $0x3  }
0x36: {  	p1 =	seq.s32 s10, $0x1;
	s10 =	sld [smem:$0x3FB8];
	_ =	sdelay $0x3  }
0x37: {  	[smem:$0x3FB8] =	sst s10  }
0x38: {  	s10 =	sld [smem:$0x3FB9]  }
0x39: {  	_ = 	snop;
	(pc) =	sbr.ind lr, $3  }
0x3a: {  	_ = 	snop  }
0x3b: {  	_ = 	snop  }
0x3c: {  	p2 =	seq.s32 s10, $0x1;
	s10 =	sld [smem:$0x3FB8]  }
0x3d: {  	_ =	shalt  }
0x3e: {  	_ =	shalt  }
0x3f: {  	_ =	shalt  }
0x40: {  	_ =	shalt  }
0x41: {  	_ =	shalt  }
0x42: {  	_ =	shalt  }
0x43: {  	_ =	shalt  }
0x44: {  	_ =	shalt  }
0x45: {  	_ =	shalt  }
0x46: {  	_ =	shalt  }
0x47: {  	_ =	shalt  }
0x48: {  	_ =	shalt  }
0x49: {  	_ =	shalt  }
0x4a: {  	_ =	shalt  }
0x4b: {  	_ =	shalt  }
0x4c: {  	_ =	shalt  }
0x4d: {  	_ =	shalt  }
0x4e: {  	_ =	shalt  }
0x4f: {  	_ =	shalt  }
0x50: {  	_ =	shalt  }
0x51: {  	_ =	shalt  }
0x52: {  	_ =	shalt  }
0x53: {  	_ =	shalt  }
0x54: {  	_ =	shalt  }
0x55: {  	_ =	shalt  }
0x56: {  	_ =	shalt  }
0x57: {  	_ =	shalt  }
0x58: {  	_ =	shalt  }
0x59: {  	_ =	shalt  }
0x5a: {  	_ =	shalt  }
0x5b: {  	_ =	shalt  }
0x5c: {  	_ =	shalt  }
0x5d: {  	_ =	shalt  }
0x5e: {  	_ =	shalt  }
0x5f: {  	_ =	shalt  }
0x60: {  	_ =	shalt  }
0x61: {  	_ =	shalt  }
0x62: {  	_ =	shalt  }
0x63: {  	_ =	shalt  }
0x64: {  	_ =	shalt  }
0x65: {  	_ =	shalt  }
0x66: {  	_ =	shalt  }
0x67: {  	_ =	shalt  }
0x68: {  	_ =	shalt  }
0x69: {  	_ =	shalt  }
0x6a: {  	_ =	shalt  }
0x6b: {  	_ =	shalt  }
0x6c: {  	_ =	shalt  }
0x6d: {  	_ =	shalt  }
0x6e: {  	_ =	shalt  }
0x6f: {  	_ =	shalt  }
0x70: {  	_ =	shalt  }
0x71: {  	_ =	shalt  }
0x72: {  	_ =	shalt  }
0x73: {  	_ =	shalt  }
0x74: {  	_ =	shalt  }
0x75: {  	_ =	shalt  }
0x76: {  	_ =	shalt  }
0x77: {  	_ =	shalt  }
0x78: {  	_ =	shalt  }
0x79: {  	_ =	shalt  }
0x7a: {  	_ =	shalt  }
0x7b: {  	_ =	shalt  }
0x7c: {  	_ =	shalt  }
0x7d: {  	_ =	shalt  }
0x7e: {  	_ =	shalt  }
0x7f: {  	_ =	shalt  }
0x80: {  	_ =	shalt  }
0x81: {  	_ =	shalt  }
0x82: {  	_ =	shalt  }
0x83: {  	_ =	shalt  }
0x84: {  	_ =	shalt  }
0x85: {  	_ =	shalt  }
0x86: {  	_ =	shalt  }
0x87: {  	_ =	shalt  }
.Lfunc_end0:
.L_simem_size_0:
called_computation_lowered:
.L_overlay_start_0:
0x88: {  	s2 =	sld [smem:$0x3FD9]  }
0x89: {  	s3 =	sld [smem:$0x3FFE];
	_ =	sdelay $0x1  }
0x8a: {  	s1 =	srdreg.scid  }
0x8b: {  	s0 =	sand.u32 $0x1, s1  }
0x8c: {  	s14 =	sshll.u32 s0, $0xA;
	s2 =	sadd.s32 s3, s2  }
0x8d: {  	s2 =	sadd.s32 s2, s14  }
0x8e: {  	[smem:$0x3FC4] =	sst s2  }
0x8f: {  	_ = 	snop  }
0x90: {  	s2 =	sld [smem:$0x3FD0];
	_ =	sdelay $0x2  }
0x91: {  	s15 =	simm.s32 $0xA;
	s4 =	simm.s32 $0x10  }
0x92: {  	[smem:s4], [sflag:s15] =	dma.local [hbm:s2], $0x1  }
0x93: {  	_ =	swait.eq [sflag:s15], $0x1  }
0x94: {  	[sflag:s15] =	ssyncset.done $0x0  }
0x95: {  	[sflag:s15] =	ssyncadd.s32 $0xFFFFFFFF  }
0x96: {  	s16 =	sld [smem:$0x15];
	(tm) =	ssettm $0x1  }
0x97: {  	s17 =	sld [smem:$0x3FFB];
	_ =	sdelay $0x3  }
0x98: {  	_ =	strace s17  }
0x99: {  	s3 =	sld [smem:$0x3FFC];
	_ =	sdelay $0x3  }
0x9a: {  	_ =	strace s3  }
0x9b: {  	s3 =	sld [smem:$0x3FFD];
	_ =	sdelay $0x3  }
0x9c: {  	_ =	strace s3  }
0x9d: {  	_ =	strace $0x8FFFFFFF  }
0x9e: {  	s18 =	sld [smem:$0x3FDB];
	_ =	sdelay $0x1  }
0x9f: {  	s19 =	simm.s32 $_scs_section_size  }
0xa0: {  	s5 =	simm.s32 $_size__tile_overlayer_lowered;
	s6 =	simm.s32 $_tile_overlayer_lowered  }
0xa1: {  	s22 =	simm.s32 $0x1BFF;
	s21 =	sshll.u32 s6, $0x1;
	s3 =	sadd.s32 s19, s18  }
0xa2: {  	s7 =	simm.s32 $0x0;
	s20 =	sshll.u32 s5, $0x1;
	s5 =	sadd.s32 s21, s3  }
0xa3: {  	[timem:s7], [sflag:s22] =	dma.local [hbm:s5], s20  }
0xa4: {  	_ =	swait.ge [sflag:s22], s20  }
0xa5: {  	s4 =	ssub.s32 $0x0, s20;
	[sflag:s22] =	ssyncset.done $0x0  }
0xa6: {  	[sflag:s22] =	ssyncadd.s32 s4;
	_ =	sdelay $0x1  }
0xa7: {  	s23 =	simm.s32 $0x1B8B  }
0xa8: {  	_ =	swait.ge [sflag:s23], $0x1  }
0xa9: {  	[sflag:s23] =	ssyncset.done $0x0  }
0xaa: {  	s25 =	simm.s32 $0x1B8E;
	s24 =	sld [smem:$0x3FFE];
	[sflag:s23] =	ssyncadd.s32 $0xFFFFFFFF  }
0xab: {  	s26 =	simm.s32 $execute0_lowered;
	[smem:$0x3FD2] =	sst s25  }
0xac: {  	s5 =	sshll.u32 s26, $0x1;
	_ =	strace $0x80000046;
	[dreg:$0x1] =	wrdreg $0xFFFFFFFF  }
0xad: {  	s28 =	simm.s32 $_size_execute0_lowered;
	s3 =	sadd.s32 s3, s5;
	[dreg:$0x0] =	wrdreg $0x0  }
0xae: {  	s5 =	sshll.u32 s28, $0x1;
	[dreg:$0x2] =	wrdreg s3  }
0xaf: {  	[dreg:$0x3] =	wrdreg s5  }
0xb0: {  	[dreg:$0x4] =	wrdreg $0xC0  }
0xb1: {  	_ =	task [dreg:s7], $0x5FFFF  }
0xb2: {  	[dreg:$0x1] =	wrdreg $0xFFFFFFFF  }
0xb3: {  	[dreg:$0x0] =	wrdreg $0x60  }
0xb4: {  	[dreg:$0x2] =	wrdreg s16  }
0xb5: {  	[dreg:$0x3] =	wrdreg s24  }
0xb6: {  	[dreg:$0x4] =	wrdreg $0x9  }
0xb7: {  	_ =	task.clear_ibuf [dreg:s7], $0x5FFFF;
	_ =	strace $0x90000046  }
0xb8: {  	s29 =	simm.s32 $0x9;
	_ =	strace $0x80000048  }
0xb9: {  	_ =	swait.ge [sflag:s29], $0x1  }
0xba: {  	[sflag:s29] =	ssyncadd.s32 $0xFFFFFFFF  }
0xbb: {  	_ =	strace $0x90000048  }
0xbc: {  	_ =	sfence  }
0xbd: {  	s30 =	sld [smem:$0x0];
	_ =	sdelay $0x2  }
0xbe: {  	s31 =	sshll.u32 s1, $0xD;
	s1 =	sshrl.u32 s1, $0x2  }
0xbf: {  	s3 =	sand.u32 $0x4000, s31;
	s1 =	sadd.s32 s1, s30  }
0xc0: {  	s0 =	sor.u32 s3, s0;
	s1 =	sshll.u32 s1, $0x11  }
0xc1: {  	s0 =	sor.u32 s1, s0  }
0xc2: {  	s0 =	sadd.s32 $0x8F2B, s0  }
0xc3: {  	[sflag:s0] =	ssyncadd.remote.s32 $0x1  }
0xc4: {  	_ =	sfence.sel $0xFFFF  }
0xc5: {  	[dreg:$0x0] =	wrdreg $0xFFFFFFFF;
	(pc) =	sbr.abs _section_cstart, $3  }
0xc6: {  	[dreg:$0x1] =	wrdreg $0xFFFFFFFF  }
0xc7: {  	_ =	task.clear_ibuf [dreg:s7], $0x2FFFF;
	_ =	strace $0x9FFFFFFF  }
0xc8: {  	(tm) =	ssettm $0x7FFFFFFF  }
0xc9: {  	_ =	shalt  }
tec
execute0_lowered:
.L_overlay_start_1:
0x0: {  	(tag) =	ssettag $0x1  }
0x1: {  	s0 =	srdreg.scid  }
0x2: {  	s2 =	stileid.u32;
	s1 =	rddreg [dreg:$0x1];
	vm0 =	vmmov $0x1;
	v3 =	vimm.s32 $0x0;
	s0 =	sand.u32 $0x1, s0  }
0x3: {  	s4 =	simm.s32 $0x0;
	s2 =	sshll.u32 s2, $0xE;
	v3 =	vsel vm0, $0xFFFFFFFF, v3;
	s3 =	sshll.u32 s0, $0xD  }
0x4: {  	[smem:$0x7FF] =	sst s4;
	s0 =	ssub.s32 $0x2, s0;
	[tilespmem:$0x1FFF0] =	vst v3;
	s10 =	sor.u32 s3, s2  }
0x5: {  	v0 =	vimm.f32 $-Inf;
	v1 =	vimm.f32 $+Inf;
	v2 =	vimm.s32 $0x0;
	_ =	strace $0x80000047;
	s29 =	sshrl.u32 s0, $0x1;
	s2 =	sshrl.u32 s10, $0x3  }
0x6: {  	vm2 =	vcmask $0x704;
	vm3 =	vcmask $0xB08;
	vm4 =	vcmask $0xF0C;
	s0 =	ssub.s32 s0, s29;
	s30 =	sor.u32 $0x1FFF, s10;
	[smem:$0x7FD] =	sst s10  }
0x7: {  	vm5 =	vcmask $0x1310;
	vm6 =	vcmask $0x1714;
	vm7 =	vcmask $0x1B18;
	s1 =	sadd.s32 s2, s1;
	[smem:$0x7F9] =	sst s30;
	s0 =	smax.u32 s0, $0x1  }
0x8: {  	vm8 =	vcmask $0x1F1C;
	vm9 =	vcmask $0x2320;
	s6 =	simm.s32 $0x880;
	vm10 =	vcmask $0x2724;
	s31 =	sadd.s32 $0x1000, s1;
	[smem:$0x7FC] =	sst s0  }
0x9: {  	vm11 =	vcmask $0x2B28;
	vm12 =	vcmask $0x2F2C;
	vm13 =	vcmask $0x3330;
	s11 =	simm.s32 $0x5100;
	s1 =	sadd.s32 $0x9000, s1;
	[smem:$0x7FA] =	sst s31  }
0xa: {  	vm14 =	vcmask $0x3734;
	vm15 =	vcmask $0x3B38;
	v3 =	vlaneseq.u32;
	s2 =	simm.s32 $0x1;
	[smem:$0x7FB] =	sst s1;
	s1 =	simm.s32 $0x0  }
.LBB2_1:
0xb: {  	[smem:$0x7F8] =	sst s1  }
0xc: {  	s0 =	rddreg [dreg:$0x0];
	s30 =	simm.s32 $0x10  }
0xd: {  	[tilespmem:s30], [sflag:$0x1] =	stream.linear.gather [hbm4b:s0+s4], $0x800, $0x38;
	[tilespmem:$0x7100] =	vst v63  }
0xe: {  	_ =	swait.ge [sflag:s2], $0x800  }
0xf: {  	[sflag:s2] =	ssyncset.done $0x0  }
0x10: {  	[sflag:s2] =	ssyncadd.s32 $0xFFFFF800  }
0x11: {  	[tilespmem:$0x0] =	vst v0  }
0x12: {  	s31 =	simm.s32 $0x0;
	[tilespmem:$0x810] =	vst v1  }
0x13: {  	v4 =	vld [tilespmem:s31+$0x0]  }
0x14: {  	v5 =	vld [tilespmem:s31+$0x11]  }
0x15: {  	v6 =	vld [tilespmem:s31+$0x1]  }
0x16: {  	v7 =	vld [tilespmem:s31+$0x12]  }
0x17: {  	v8 =	vld [tilespmem:s31+$0x2]  }
0x18: {  	v9 =	vld [tilespmem:s31+$0x13]  }
0x19: {  	v10 =	vld [tilespmem:s31+$0x3]  }
0x1a: {  	v11 =	vld [tilespmem:s31+$0x14]  }
0x1b: {  	v12 =	vld [tilespmem:s31+$0x4]  }
0x1c: {  	v13 =	vld [tilespmem:s31+$0x15]  }
0x1d: {  	v14 =	vld [tilespmem:s31+$0x5]  }
0x1e: {  	v15 =	vld [tilespmem:s31+$0x16]  }
0x1f: {  	v16 =	vld [tilespmem:s31+$0x6]  }
0x20: {  	v17 =	vld [tilespmem:s31+$0x17]  }
0x21: {  	v18 =	vld [tilespmem:s31+$0x7]  }
0x22: {  	v19 =	vld [tilespmem:s31+$0x18]  }
0x23: {  	v20 =	vld [tilespmem:s31+$0x10]  }
0x24: {  	v21 =	vld [tilespmem:s31+$0x8]  }
0x25: {  	v22 =	vld [tilespmem:s31+$0x19]  }
0x26: {  	v23 =	vld [tilespmem:s31+$0x9]  }
0x27: {  	v24 =	vld [tilespmem:s31+$0x1A]  }
0x28: {  	v25 =	vld [tilespmem:s31+$0xA];
	v4 =	vsub.f32 v20, v4  }
0x29: {  	v26 =	vld [tilespmem:s31+$0x1B];
	v5 =	vsub.f32 v5, v20;
	v6 =	vsub.f32 v20, v6  }
0x2a: {  	v27 =	vld [tilespmem:s31+$0xB];
	v7 =	vsub.f32 v7, v20;
	v8 =	vsub.f32 v20, v8  }
0x2b: {  	v28 =	vld [tilespmem:s31+$0x1C];
	v9 =	vsub.f32 v9, v20;
	v10 =	vsub.f32 v20, v10  }
0x2c: {  	v29 =	vld [tilespmem:s31+$0xC];
	v11 =	vsub.f32 v11, v20;
	v12 =	vsub.f32 v20, v12  }
0x2d: {  	v30 =	vld [tilespmem:s31+$0xD];
	v13 =	vsub.f32 v13, v20;
	v14 =	vsub.f32 v20, v14  }
0x2e: {  	v31 =	vld [tilespmem:s31+$0xF];
	v15 =	vsub.f32 v15, v20;
	v16 =	vsub.f32 v20, v16  }
0x2f: {  	v32 =	vld [tilespmem:s31+$0x20];
	v17 =	vsub.f32 v17, v20;
	v18 =	vsub.f32 v20, v18  }
0x30: {  	v33 =	vld [tilespmem:s31+$0xE];
	v21 =	vsub.f32 v20, v21;
	v19 =	vsub.f32 v19, v20  }
0x31: {  	v34 =	vld [tilespmem:s31+$0x1F];
	v23 =	vsub.f32 v20, v23;
	v22 =	vsub.f32 v22, v20  }
0x32: {  	v35 =	vld [tilespmem:s31+$0x1E];
	v25 =	vsub.f32 v20, v25;
	v24 =	vsub.f32 v24, v20  }
0x33: {  	s16 =	simm.s32 $0x10;
	v36 =	vld [tilespmem:s31+$0x1D];
	v27 =	vsub.f32 v20, v27;
	v26 =	vsub.f32 v26, v20  }
0x34: {  	v37 =	vld [tilespmem:s16+$0x0];
	v29 =	vsub.f32 v20, v29;
	v28 =	vsub.f32 v28, v20  }
0x35: {  	v38 =	vld [tilespmem:s16+$0x11];
	v31 =	vsub.f32 v20, v31;
	v32 =	vsub.f32 v32, v20  }
0x36: {  	v39 =	vld [tilespmem:s16+$0x1];
	v33 =	vsub.f32 v20, v33;
	v34 =	vsub.f32 v34, v20  }
0x37: {  	v40 =	vld [tilespmem:s16+$0x12];
	v30 =	vsub.f32 v20, v30;
	v35 =	vsub.f32 v35, v20  }
0x38: {  	v41 =	vld [tilespmem:s16+$0x2];
	v20 =	vsub.f32 v36, v20;
	vm0 =	vle.f32 v31, v32;
	vm1 =	vle.f32 v33, v34  }
0x39: {  	v58 =	vld [tilespmem:s16+$0x15];
	v32 =	vsel vm0, $0x1, v2;
	v33 =	vsel vm1, $0x1, v2;
	vm0 =	vle.f32 v30, v35  }
0x3a: {  	v59 =	vld [tilespmem:s16+$0x5];
	v32 =	vadd.s32 v32, v33;
	v56 =	vsel vm0, $0x1, v2;
	vm0 =	vle.f32 v29, v20  }
0x3b: {  	v60 =	vld [tilespmem:s16+$0x17];
	v29 =	vadd.s32 v56, v32;
	v57 =	vsel vm0, $0x1, v2;
	vm0 =	vle.f32 v27, v28  }
0x3c: {  	v61 =	vld [tilespmem:s16+$0x18];
	v28 =	vadd.s32 v57, v29;
	v29 =	vsel vm0, $0x1, v2;
	vm0 =	vle.f32 v25, v26  }
0x3d: {  	v62 =	vld [tilespmem:s16+$0x8];
	v25 =	vadd.s32 v29, v28;
	v26 =	vsel vm0, $0x1, v2;
	vm0 =	vle.f32 v23, v24  }
0x3e: {  	v31 =	vld [tilespmem:s16+$0x13];
	v23 =	vadd.s32 v26, v25;
	v24 =	vsel vm0, $0x1, v2;
	vm0 =	vle.f32 v21, v22  }
0x3f: {  	v30 =	vld [tilespmem:s16+$0x3];
	v22 =	vadd.s32 v24, v23;
	v23 =	vsel vm0, $0x1, v2;
	vm0 =	vle.f32 v18, v19  }
0x40: {  	v20 =	vld [tilespmem:s16+$0x14];
	v19 =	vadd.s32 v23, v22;
	v22 =	vsel vm0, $0x1, v2;
	vm0 =	vle.f32 v16, v17  }
0x41: {  	v33 =	vld [tilespmem:s16+$0xE];
	v16 =	vadd.s32 v22, v19;
	v17 =	vsel vm0, $0x1, v2;
	vm0 =	vle.f32 v14, v15  }
0x42: {  	v27 =	vld [tilespmem:s16+$0x4];
	v14 =	vadd.s32 v17, v16;
	v15 =	vsel vm0, $0x1, v2;
	vm0 =	vle.f32 v12, v13  }
0x43: {  	v32 =	vld [tilespmem:s16+$0x20];
	v12 =	vadd.s32 v15, v14;
	v13 =	vsel vm0, $0x1, v2;
	vm0 =	vle.f32 v10, v11  }
0x44: {  	v14 =	vld [tilespmem:s16+$0x10];
	v10 =	vadd.s32 v13, v12;
	v11 =	vsel vm0, $0x1, v2;
	vm0 =	vle.f32 v8, v9  }
0x45: {  	v29 =	vld [tilespmem:s16+$0xB];
	v8 =	vadd.s32 v11, v10;
	v9 =	vsel vm0, $0x1, v2;
	vm0 =	vle.f32 v6, v7  }
0x46: {  	v28 =	vld [tilespmem:s16+$0x1C];
	v6 =	vadd.s32 v9, v8;
	v7 =	vsel vm0, $0x1, v2;
	vm0 =	vle.f32 v4, v5  }
0x47: {  	v21 =	vld [tilespmem:s16+$0x16];
	v4 =	vadd.s32 v7, v6;
	v5 =	vsel vm0, $0x1, v2  }
0x48: {  	v25 =	vld [tilespmem:s16+$0xA];
	v17 =	vadd.s32 v5, v4  }
0x49: {  	v18 =	vld [tilespmem:s16+$0x6];
	v4 =	vsub.f32 v14, v37;
	v5 =	vsub.f32 v38, v14;
	(xrf0) =	vadd.scan.msk.s32 $0xffff, v17  }
0x4a: {  	v19 =	vld [tilespmem:s16+$0x7];
	v6 =	vsub.f32 v14, v39;
	v7 =	vsub.f32 v40, v14  }
0x4b: {  	v26 =	vld [tilespmem:s16+$0x1B];
	v8 =	vsub.f32 v14, v41;
	v9 =	vsub.f32 v31, v14  }
0x4c: {  	v24 =	vld [tilespmem:s16+$0x9];
	v10 =	vsub.f32 v14, v30;
	v11 =	vsub.f32 v20, v14  }
0x4d: {  	v22 =	vld [tilespmem:s16+$0x19];
	v12 =	vsub.f32 v14, v27;
	v13 =	vsub.f32 v58, v14  }
0x4e: {  	v23 =	vld [tilespmem:s16+$0x1A];
	v15 =	vsub.f32 v14, v59;
	v16 =	vsub.f32 v21, v14  }
0x4f: {  	v30 =	vld [tilespmem:s16+$0xC];
	v19 =	vsub.f32 v14, v19;
	v20 =	vsub.s32 s4, v17;
	v17 =	vsub.f32 v14, v18;
	v21, _, _ =	vpop (xrf0)  }
0x50: {  	v27 =	vld [tilespmem:s16+$0xD];
	v18 =	vsub.f32 v60, v14;
	v63 =	vadd.s32 v21, v20;
	(v2sf) =	vpush v21, $0xF  }
0x51: {  	s1 =	simm.s32 $0x80;
	s17 =	simm.s32 $0x0;
	v31 =	vld [tilespmem:s16+$0xF];
	v21 =	vsub.f32 v14, v62;
	v20 =	vsub.f32 v61, v14;
	[tilespmem:s31+$0x880] =	vst v63  }
.LBB2_2:
0x52: {  	p0 =	sne.s32 s1, $0x1FC0;
	v34 =	vld [tilespmem:s16+$0x1F];
	v24 =	vsub.f32 v14, v24;
	v22 =	vsub.f32 v22, v14  }
0x53: {  	v25 =	vsub.f32 v14, v25;
	v23 =	vsub.f32 v23, v14;
	v35 =	vld [tilespmem:s16+$0x1E]  }
0x54: {  	s0 =	sshra.s32 s1, $0x2;
	v29 =	vsub.f32 v14, v29;
	v26 =	vsub.f32 v26, v14;
	v36 =	vld [tilespmem:s16+$0x1D]  }
0x55: {  	v30 =	vsub.f32 v14, v30;
	v28 =	vsub.f32 v28, v14;
	v37 =	vld [tilespmem:s0+$0x0]  }
0x56: {  	v31 =	vsub.f32 v14, v31;
	v32 =	vsub.f32 v32, v14;
	v38 =	vld [tilespmem:s0+$0x11]  }
0x57: {  	v33 =	vsub.f32 v14, v33;
	v39 =	vld [tilespmem:s0+$0x1];
	v34 =	vsub.f32 v34, v14  }
0x58: {  	v27 =	vsub.f32 v14, v27;
	v40 =	vld [tilespmem:s0+$0x12];
	v35 =	vsub.f32 v35, v14  }
0x59: {  	vm0 =	vle.f32 v31, v32;
	v41 =	vld [tilespmem:s0+$0x2];
	vm1 =	vle.f32 v33, v34;
	v14 =	vsub.f32 v36, v14  }
0x5a: {  	v32 =	vsel vm0, $0x1, v2;
	v31 =	vld [tilespmem:s0+$0x13];
	v33 =	vsel vm1, $0x1, v2;
	vm0 =	vle.f32 v27, v35  }
0x5b: {  	v27 =	vld [tilespmem:s0+$0x3];
	v32 =	vadd.s32 v32, v33;
	v33 =	vsel vm0, $0x1, v2;
	vm0 =	vle.f32 v30, v14  }
0x5c: {  	v30 =	vld [tilespmem:s0+$0x14];
	v14 =	vadd.s32 v33, v32;
	v32 =	vsel vm0, $0x1, v2;
	vm0 =	vle.f32 v29, v28  }
0x5d: {  	v33 =	vld [tilespmem:s0+$0x4];
	v14 =	vadd.s32 v32, v14;
	v28 =	vsel vm0, $0x1, v2;
	vm0 =	vle.f32 v25, v26  }
0x5e: {  	v32 =	vld [tilespmem:s0+$0x15];
	v14 =	vadd.s32 v28, v14;
	v25 =	vsel vm0, $0x1, v2;
	vm0 =	vle.f32 v24, v23  }
0x5f: {  	v34 =	vld [tilespmem:s0+$0x5];
	v14 =	vadd.s32 v25, v14;
	v23 =	vsel vm0, $0x1, v2;
	vm0 =	vle.f32 v21, v22;
	s2 =	spop (v2sf)  }
0x60: {  	v21 =	vld [tilespmem:s0+$0x16];
	v14 =	vadd.s32 v23, v14;
	v22 =	vsel vm0, $0x1, v2;
	vm0 =	vle.f32 v19, v20;
	s17 =	sadd.s32 s17, s2  }
0x61: {  	v19 =	vld [tilespmem:s0+$0x6];
	v14 =	vadd.s32 v22, v14;
	v20 =	vsel vm0, $0x1, v2;
	vm0 =	vle.f32 v17, v18  }
0x62: {  	v18 =	vld [tilespmem:s0+$0x17];
	v14 =	vadd.s32 v20, v14;
	v17 =	vsel vm0, $0x1, v2;
	vm0 =	vle.f32 v15, v16  }
0x63: {  	v20 =	vld [tilespmem:s0+$0x7];
	v14 =	vadd.s32 v17, v14;
	v15 =	vsel vm0, $0x1, v2;
	vm0 =	vle.f32 v12, v13  }
0x64: {  	v35 =	vld [tilespmem:s0+$0x18];
	v12 =	vadd.s32 v15, v14;
	v13 =	vsel vm0, $0x1, v2;
	vm0 =	vle.f32 v10, v11  }
0x65: {  	v14 =	vld [tilespmem:s0+$0x10];
	v10 =	vadd.s32 v13, v12;
	v11 =	vsel vm0, $0x1, v2;
	vm0 =	vle.f32 v8, v9  }
0x66: {  	v36 =	vld [tilespmem:s0+$0x8];
	v8 =	vadd.s32 v11, v10;
	v9 =	vsel vm0, $0x1, v2;
	vm0 =	vle.f32 v6, v7  }
0x67: {  	v22 =	vld [tilespmem:s0+$0x19];
	v6 =	vadd.s32 v9, v8;
	v7 =	vsel vm0, $0x1, v2;
	vm0 =	vle.f32 v4, v5  }
0x68: {  	v24 =	vld [tilespmem:s0+$0x9];
	v4 =	vadd.s32 v7, v6;
	v5 =	vsel vm0, $0x1, v2  }
0x69: {  	v23 =	vld [tilespmem:s0+$0x1A];
	v6 =	vadd.s32 v5, v4  }
0x6a: {  	v25 =	vld [tilespmem:s0+$0xA];
	v4 =	vsub.f32 v14, v37;
	v5 =	vsub.f32 v38, v14;
	v37 =	vsub.s32 s17, v6;
	(xrf0) =	vadd.scan.msk.s32 $0xffff, v6  }
0x6b: {  	v6 =	vsub.f32 v14, v39;
	v7 =	vsub.f32 v40, v14;
	v26 =	vld [tilespmem:s0+$0x1B]  }
0x6c: {  	v8 =	vsub.f32 v14, v41;
	v9 =	vsub.f32 v31, v14;
	v29 =	vld [tilespmem:s0+$0xB]  }
0x6d: {  	v10 =	vsub.f32 v14, v27;
	v11 =	vsub.f32 v30, v14;
	v28 =	vld [tilespmem:s0+$0x1C]  }
.Ltmp0:
0x6e: {  	v12 =	vsub.f32 v14, v33;
	v13 =	vsub.f32 v32, v14;
	v30 =	vld [tilespmem:s0+$0xC];
	(pc) =	sbr.rel @p0 .LBB2_2-.Ltmp0, $4  }
0x6f: {  	v15 =	vsub.f32 v14, v34;
	v16 =	vsub.f32 v21, v14;
	v27 =	vld [tilespmem:s0+$0xD]  }
0x70: {  	v17 =	vsub.f32 v14, v19;
	v18 =	vsub.f32 v18, v14;
	v31 =	vld [tilespmem:s0+$0xF];
	v21, _, _ =	vpop (xrf0)  }
0x71: {  	v19 =	vsub.f32 v14, v20;
	v32 =	vld [tilespmem:s0+$0x20];
	v34 =	vadd.s32 v21, v37;
	(v2sf) =	vpush v21, $0xF  }
0x72: {  	s1 =	sadd.s32 $0x40, s1;
	v20 =	vsub.f32 v35, v14;
	v21 =	vsub.f32 v14, v36;
	v33 =	vld [tilespmem:s0+$0xE];
	[tilespmem:s16+$0x880] =	vst v34;
	s16 =	smov.u32 s0  }
0x73: {  	v34 =	vld [tilespmem:s16+$0x1F];
	v24 =	vsub.f32 v14, v24;
	v22 =	vsub.f32 v22, v14  }
0x74: {  	v35 =	vld [tilespmem:s16+$0x1E];
	v25 =	vsub.f32 v14, v25;
	v23 =	vsub.f32 v23, v14  }
0x75: {  	v36 =	vld [tilespmem:s16+$0x1D];
	v29 =	vsub.f32 v14, v29;
	v26 =	vsub.f32 v26, v14  }
0x76: {  	v30 =	vsub.f32 v14, v30;
	v28 =	vsub.f32 v28, v14  }
0x77: {  	v31 =	vsub.f32 v14, v31;
	v32 =	vsub.f32 v32, v14  }
0x78: {  	v33 =	vsub.f32 v14, v33;
	v34 =	vsub.f32 v34, v14  }
0x79: {  	v27 =	vsub.f32 v14, v27;
	v35 =	vsub.f32 v35, v14  }
0x7a: {  	vm0 =	vle.f32 v31, v32;
	v54 =	vsub.f32 v36, v14;
	vm1 =	vle.f32 v33, v34  }
0x7b: {  	v31 =	vsel vm0, $0x1, v2;
	vm0 =	vle.f32 v27, v35;
	v55 =	vsel vm1, $0x1, v2  }
0x7c: {  	v57 =	vsel vm0, $0x1, v2;
	vm0 =	vle.f32 v30, v54;
	v56 =	vadd.s32 v31, v55  }
0x7d: {  	v59 =	vsel vm0, $0x1, v2;
	vm0 =	vle.f32 v29, v28;
	v58 =	vadd.s32 v57, v56  }
0x7e: {  	v60 =	vsel vm0, $0x1, v2;
	vm0 =	vle.f32 v25, v26;
	v14 =	vadd.s32 v59, v58  }
0x7f: {  	v25 =	vsel vm0, $0x1, v2;
	vm0 =	vle.f32 v24, v23;
	v14 =	vadd.s32 v60, v14  }
0x80: {  	v23 =	vsel vm0, $0x1, v2;
	vm0 =	vle.f32 v21, v22;
	v14 =	vadd.s32 v25, v14  }
0x81: {  	v21 =	vsel vm0, $0x1, v2;
	vm0 =	vle.f32 v19, v20;
	v14 =	vadd.s32 v23, v14  }
0x82: {  	v19 =	vsel vm0, $0x1, v2;
	vm0 =	vle.f32 v17, v18;
	v14 =	vadd.s32 v21, v14  }
0x83: {  	v17 =	vsel vm0, $0x1, v2;
	vm0 =	vle.f32 v15, v16;
	v14 =	vadd.s32 v19, v14  }
0x84: {  	v15 =	vsel vm0, $0x1, v2;
	vm0 =	vle.f32 v12, v13;
	v14 =	vadd.s32 v17, v14  }
0x85: {  	v13 =	vsel vm0, $0x1, v2;
	vm0 =	vle.f32 v10, v11;
	v61 =	vadd.s32 v15, v14  }
0x86: {  	v11 =	vsel vm0, $0x1, v2;
	vm0 =	vle.f32 v8, v9;
	v62 =	vadd.s32 v13, v61  }
0x87: {  	v9 =	vsel vm0, $0x1, v2;
	vm0 =	vle.f32 v6, v7;
	v63 =	vadd.s32 v11, v62  }
0x88: {  	v7 =	vsel vm0, $0x1, v2;
	vm0 =	vle.f32 v4, v5;
	v6 =	vadd.s32 v9, v63  }
0x89: {  	v5 =	vsel vm0, $0x1, v2;
	v4 =	vadd.s32 v7, v6  }
0x8a: {  	v4 =	vadd.s32 v5, v4  }
0x8b: {  	(xrf0) =	vadd.scan.msk.s32 $0xffff, v4;
	_ =	sdelay $0x5  }
0x8c: {  	v5, _, _ =	vpop (xrf0)  }
0x8d: {  	(v2sf) =	vpush v5, $0xF;
	_ =	sdelay $0xc  }
0x8e: {  	s0 =	spop (v2sf)  }
0x8f: {  	s0 =	sadd.s32 s17, s0  }
0x90: {  	v4 =	vsub.s32 s0, v4;
	s1 =	spop (v2sf)  }
0x91: {  	v4 =	vadd.s32 v5, v4;
	s1 =	sadd.s32 s0, s1  }
0x92: {  	[tilespmem:s16+$0x880] =	vst v4;
	v4 =	vmov s1  }
0x93: {  	s4 =	simm.s32 $0x0;
	s0 =	simm.s32 $0x40;
	[tilespmem:$0x1080] =	vst v4  }
.LBB2_4:
0x94: {  	p0 =	sne.s32 s0, $0x7FC0;
	[tilespmem:s4+$0x5100] =	vst v2;
	s2 =	smov.u32 s0;
	s0 =	sadd.s32 $0x40, s0  }
.Ltmp1:
0x95: {  	(pc) =	sbr.rel @p0 .LBB2_4-.Ltmp1, $2  }
0x96: {  	_ =	sdelay $0x2  }
0x97: {  	s4 =	sshra.s32 s2, $0x2  }
0x98: {  	s2 =	sshra.s32 s1, $0x1F  }
0x99: {  	s0 =	sxor.u32 s2, s1  }
0x9a: {  	s3 =	ssub.s32 s0, s2  }
0x9b: {  	(drf) =	sdiv.u32 s10, s3;
	_ =	sdelay $0x8  }
0x9c: {  	s31 =	spop (drf)  }
0x9d: {  	s0 =	sxor.u32 s2, s31  }
0x9e: {  	s0 =	ssub.s32 s0, s2  }
0x9f: {  	s5 =	smul.u32 s1, s0;
	_ =	sdelay $0x1  }
0xa0: {  	v5 =	vimm.s32 $0x0;
	v7 =	vimm.s32 $0x800;
	s5 =	ssub.s32 s10, s5  }
0xa1: {  	[tilespmem:s4+$0x5100] =	vst v2;
	s4 =	simm.s32 $0xA;
	v8 =	vadd.s32 v5, v7;
	v6 =	vmov s5  }
.LBB2_6:
0xa2: {  	p0 =	sne.s32 s4, $0x1;
	v9 =	vshrl.u32 v8, $0x1F  }
0xa3: {  	v8 =	vadd.s32 v9, v8  }
0xa4: {  	v8 =	vshra.s32 v8, $0x1;
	_ =	sdelay $0x4  }
0xa5: {  	v9 =	vld.idx.msk [tilespmem:v8+s6+$0x0], $0xffff;
	_ =	sdelay $0x3  }
.Ltmp2:
0xa6: {  	(pc) =	sbr.rel @p0 .LBB2_6-.Ltmp2, $4  }
0xa7: {  	_ = 	snop  }
0xa8: {  	vm0 =	vgt.s32 v9, v6;
	v9 =	vadd.s32 $0x1, v8  }
0xa9: {  	v5 =	vsel vm0, v5, v9;
	v7 =	vsel vm0, v8, v7  }
0xaa: {  	s4 =	sadd.s32 $0xFFFFFFFF, s4;
	v8 =	vadd.s32 v5, v7  }
0xab: {  	v7 =	vshrl.u32 v8, $0x1F  }
0xac: {  	v7 =	vadd.s32 v7, v8  }
0xad: {  	v7 =	vshra.s32 v7, $0x1;
	_ =	sdelay $0x4  }
0xae: {  	v63 =	vld.idx.msk [tilespmem:v7+s6+$0x0], $0xffff;
	_ =	sdelay $0x4  }
0xaf: {  	vm0 =	vgt.s32 v63, v6;
	v6 =	vadd.s32 $0x1, v7  }
0xb0: {  	v5 =	vsel vm0, v5, v6;
	v6 =	vld [tilespmem:$0x1FFF0];
	_ =	sdelay $0x4  }
0xb1: {  	v5 =	vadd.s32 $0xFFFFFFFF, v5;
	vm0 =	vnez.u8 v6  }
0xb2: {  	v5 =	vnsel vm0, $0x0, v5  }
0xb3: {  	s4 =	sld [smem:$0x7F9];
	(xrf0) =	vadd.scan.msk.s32 $0xffff, v5;
	_ =	sdelay $0x2  }
0xb4: {  	(drf) =	sdiv.u32 s4, s3;
	_ =	sdelay $0x2  }
0xb5: {  	v5, _, _ =	vpop (xrf0)  }
0xb6: {  	(v2sf) =	vpush v5, $0xF;
	_ =	sdelay $0x4  }
0xb7: {  	s3 =	spop (drf)  }
0xb8: {  	s3 =	sxor.u32 s2, s3  }
0xb9: {  	s3 =	ssub.s32 s3, s2  }
0xba: {  	p0 =	slt.s32 s3, $0xF  }
0xbb: {  	s3 =	simm.s32 @!p0 $0xF  }
0xbc: {  	p0 =	sgt.s32 s0, s3  }
.Ltmp3:
0xbd: {  	_ = 	snop;
	(pc) =	sbr.rel @p0 .LBB2_11-.Ltmp3, $2  }
0xbe: {  	_ =	sdelay $0x2  }
0xbf: {  	s4 =	smov.u32 s0;
	s2 =	spop (v2sf)  }
.LBB2_8:
0xc0: {  	s5 =	smul.u32 s1, s4  }
0xc1: {  	s7 =	simm.s32 $0x881  }
0xc2: {  	v6 =	vld [tilespmem:s7+$0x0];
	s5 =	ssub.s32 s5, s10  }
0xc3: {  	s6 =	simm.s32 $0x0;
	s8 =	simm.s32 $0x10;
	v7 =	vld [tilespmem:s7+$0xFFFFFFFF];
	v5 =	vmov s5;
	s5 =	sshll.u32 s4, $0xB  }
.LBB2_9:
0xc4: {  	p0 =	sne.s32 s8, $0x7F0;
	_ =	sdelay $0x3  }
0xc5: {  	v6 =	vsub.s32 v6, v7;
	v7 =	vadd.s32 v5, v7  }
0xc6: {  	vm0 =	vlt.u32 v7, $0x2000;
	vm1 =	vgt.s32 v6, $0x0  }
0xc7: {  	vm0 =	vmand vm0, vm1  }
0xc8: {  	v6 =	vnsel vm0, $0x0, v7;
	_ =	sdelay $0x2  }
.Ltmp4:
0xc9: {  	s9 =	sor.u32 s5, s6;
	s6 =	smov.u32 s8;
	(pc) =	sbr.rel @p0 .LBB2_9-.Ltmp4, $4  }
0xca: {  	v7 =	vor.u32 s9, v3  }
0xcb: {  	s7 =	sadd.s32 $0x10, s7;
	[tilespmem:v6+s11+$0x0] =	vst.idx.msk vm0, v7  }
0xcc: {  	v6 =	vld [tilespmem:s7+$0x0]  }
0xcd: {  	s8 =	sadd.s32 $0x10, s8;
	v7 =	vld [tilespmem:s7+$0xFFFFFFFF]  }
0xce: {  	_ =	sdelay $0x3  }
0xcf: {  	v6 =	vsub.s32 v6, v7;
	v5 =	vadd.s32 v5, v7  }
0xd0: {  	vm0 =	vlt.u32 v5, $0x2000;
	vm1 =	vgt.s32 v6, $0x0  }
0xd1: {  	vm0 =	vmand vm0, vm1  }
0xd2: {  	p0 =	sne.s32 s4, s3;
	v5 =	vnsel vm0, $0x0, v5  }
.Ltmp5:
0xd3: {  	_ = 	snop;
	(pc) =	sbr.rel @p0 .LBB2_8-.Ltmp5, $4  }
0xd4: {  	_ = 	snop  }
0xd5: {  	s5 =	sor.u32 s5, s6  }
0xd6: {  	s31 =	sadd.s32 $0x1, s4;
	v6 =	vor.u32 s5, v3  }
0xd7: {  	s4 =	smov.u32 s31;
	[tilespmem:v5+s11+$0x0] =	vst.idx.msk vm0, v6  }
.LBB2_11:
0xd8: {  	s18 =	simm.s32 $0x0  }
0xd9: {  	v5 =	vld [tilespmem:s18+$0x5100];
	_ =	sdelay $0x2  }
0xda: {  	v6 =	vld [tilespmem:s18+$0x5110];
	_ =	sdelay $0x1  }
0xdb: {  	v5 =	vxor.u32 $0x80000000, v5  }
0xdc: {  	(xrf0) =	vmax.scan.msk.u32 $0xffff, v5;
	v5 =	vld [tilespmem:s18+$0x5120];
	_ =	sdelay $0x1  }
0xdd: {  	v6 =	vxor.u32 $0x80000000, v6  }
0xde: {  	(xrf0) =	vmax.scan.msk.u32 $0xffff, v6;
	v6 =	vld [tilespmem:s18+$0x5130];
	_ =	sdelay $0x1  }
0xdf: {  	v5 =	vxor.u32 $0x80000000, v5  }
0xe0: {  	v8 =	vld [tilespmem:s18+$0x5140];
	v7, _, _ =	vpop (xrf0);
	(xrf0) =	vmax.scan.msk.u32 $0xffff, v5;
	_ =	sdelay $0x1  }
0xe1: {  	v6 =	vxor.u32 $0x80000000, v6;
	v5 =	vxor.u32 $0x80000000, v7  }
0xe2: {  	v9 =	vld [tilespmem:s18+$0x5150];
	v7, _, _ =	vpop (xrf0);
	(xrf0) =	vmax.scan.msk.u32 $0xffff, v6;
	(v2sf) =	vpush v5, $0xF  }
0xe3: {  	v6 =	vxor.u32 $0x80000000, v7;
	v7 =	vld [tilespmem:s18+$0x5160]  }
0xe4: {  	v8 =	vxor.u32 $0x80000000, v8;
	(v2sf) =	vpush v6, $0xF  }
0xe5: {  	v10, _, _ =	vpop (xrf0);
	(xrf0) =	vmax.scan.msk.u32 $0xffff, v8;
	_ =	sdelay $0x1  }
0xe6: {  	v8 =	vxor.u32 $0x80000000, v10;
	v10 =	vld [tilespmem:s18+$0x5170]  }
0xe7: {  	v9 =	vxor.u32 $0x80000000, v9;
	v11, _, _ =	vpop (xrf0);
	v7 =	vxor.u32 $0x80000000, v7;
	(v2sf) =	vpush v8, $0xF  }
0xe8: {  	(xrf0) =	vmax.scan.msk.u32 $0xffff, v9;
	v9 =	vxor.u32 $0x80000000, v11  }
0xe9: {  	(v2sf) =	vpush v9, $0xF  }
0xea: {  	(xrf0) =	vmax.scan.msk.u32 $0xffff, v7;
	v7, _, _ =	vpop (xrf0)  }
0xeb: {  	v10 =	vxor.u32 $0x80000000, v10;
	v7 =	vxor.u32 $0x80000000, v7  }
0xec: {  	(v2sf) =	vpush v7, $0xF  }
0xed: {  	s0 =	sshll.u32 s0, $0xB;
	(xrf0) =	vmax.scan.msk.u32 $0xffff, v10  }
0xee: {  	s0 =	sadd.s32 s0, s2;
	v10, _, _ =	vpop (xrf0)  }
0xef: {  	vm0 =	vgt.s32 v5, s0;
	v10 =	vxor.u32 $0x80000000, v10  }
0xf0: {  	v5 =	vnsel vm0, s0, v5;
	v11, _, _ =	vpop (xrf0);
	s1 =	spop (v2sf);
	(v2sf) =	vpush v10, $0xF  }
0xf1: {  	v11 =	vxor.u32 $0x80000000, v11;
	p0 =	sgt.s32 s0, s1  }
0xf2: {  	s17 =	simm.s32 $0x80;
	[tilespmem:s18+$0x5100] =	vst v5;
	s1 =	smov.u32 @p0 s0;
	s0 =	spop (v2sf);
	(v2sf) =	vpush v11, $0xF  }
0xf3: {  	v12 =	vld [tilespmem:s17+$0x5100];
	v5, _, _ =	vpop (xrf0);
	vm0 =	vgt.s32 v6, s1;
	p0 =	sgt.s32 s1, s0  }
0xf4: {  	v13 =	vxor.u32 $0x80000000, v5;
	v6 =	vnsel vm0, s1, v6;
	s0 =	smov.u32 @p0 s1  }
0xf5: {  	(v2sf) =	vpush v13, $0xF;
	[tilespmem:s18+$0x5110] =	vst v6;
	vm0 =	vgt.s32 v8, s0  }
0xf6: {  	v5 =	vld [tilespmem:s17+$0x5110];
	v6 =	vnsel vm0, s0, v8;
	s1 =	spop (v2sf)  }
0xf7: {  	[tilespmem:s18+$0x5120] =	vst v6;
	p0 =	sgt.s32 s0, s1  }
0xf8: {  	v8 =	vxor.u32 $0x80000000, v12;
	v6 =	vld [tilespmem:s17+$0x5120];
	s1 =	smov.u32 @p0 s0;
	s0 =	spop (v2sf)  }
0xf9: {  	(xrf0) =	vmax.scan.msk.u32 $0xffff, v8;
	vm0 =	vgt.s32 v9, s1;
	p0 =	sgt.s32 s1, s0  }
0xfa: {  	v8 =	vnsel vm0, s1, v9;
	s0 =	smov.u32 @p0 s1  }
0xfb: {  	v5 =	vxor.u32 $0x80000000, v5;
	[tilespmem:s18+$0x5130] =	vst v8;
	vm0 =	vgt.s32 v7, s0;
	s1 =	spop (v2sf)  }
0xfc: {  	v9 =	vld [tilespmem:s17+$0x5130];
	(xrf0) =	vmax.scan.msk.u32 $0xffff, v5;
	v5 =	vnsel vm0, s0, v7;
	p0 =	sgt.s32 s0, s1  }
0xfd: {  	v6 =	vxor.u32 $0x80000000, v6;
	s1 =	smov.u32 @p0 s0  }
0xfe: {  	[tilespmem:s18+$0x5140] =	vst v5;
	(xrf0) =	vmax.scan.msk.u32 $0xffff, v6;
	vm0 =	vgt.s32 v10, s1  }
0xff: {  	v7 =	vld [tilespmem:s17+$0x5140];
	s0 =	spop (v2sf);
	v5, _, _ =	vpop (xrf0);
	v6 =	vnsel vm0, s1, v10  }
0x100: {  	p0 =	sgt.s32 s1, s0;
	v8 =	vxor.u32 $0x80000000, v5  }
0x101: {  	s0 =	smov.u32 @p0 s1;
	s20 =	spop (v2sf);
	v9 =	vxor.u32 $0x80000000, v9;
	[tilespmem:s18+$0x5150] =	vst v6;
	(v2sf) =	vpush v8, $0xF  }
0x102: {  	vm0 =	vgt.s32 v11, s0;
	p0 =	sgt.s32 s0, s20;
	v5 =	vld [tilespmem:s17+$0x5150];
	(xrf0) =	vmax.scan.msk.u32 $0xffff, v9;
	v6, _, _ =	vpop (xrf0)  }
0x103: {  	v9 =	vnsel vm0, s0, v11;
	s20 =	smov.u32 @p0 s0;
	v6 =	vxor.u32 $0x80000000, v6  }
0x104: {  	v7 =	vxor.u32 $0x80000000, v7;
	s19 =	spop (v2sf);
	[tilespmem:s18+$0x5160] =	vst v9;
	v10, _, _ =	vpop (xrf0);
	vm0 =	vgt.s32 v13, s20;
	(v2sf) =	vpush v6, $0xF  }
0x105: {  	s0 =	simm.s32 $0x400;
	(xrf0) =	vmax.scan.msk.u32 $0xffff, v7;
	p0 =	sgt.s32 s20, s19;
	v9 =	vld [tilespmem:s17+$0x5160];
	v7 =	vxor.u32 $0x80000000, v10;
	v10 =	vnsel vm0, s20, v13  }
.LBB2_12:
0x106: {  	p1 =	sne.s32 s0, $0x7E00;
	s19 =	smov.u32 @p0 s20  }
0x107: {  	v5 =	vxor.u32 $0x80000000, v5;
	(v2sf) =	vpush v7, $0xF;
	[tilespmem:s18+$0x5170] =	vst v10;
	s1 =	smov.u32 s0;
	s0 =	sadd.s32 $0x200, s0;
	s18 =	smov.u32 s17  }
0x108: {  	vm0 =	vgt.s32 v8, s19;
	v10 =	vld [tilespmem:s18+$0x5170];
	v11, _, _ =	vpop (xrf0);
	(xrf0) =	vmax.scan.msk.u32 $0xffff, v5  }
0x109: {  	v5 =	vnsel vm0, s19, v8;
	v8 =	vxor.u32 $0x80000000, v11  }
0x10a: {  	[tilespmem:s18+$0x5100] =	vst v5;
	v5 =	vxor.u32 $0x80000000, v9;
	(v2sf) =	vpush v8, $0xF  }
0x10b: {  	v9, _, _ =	vpop (xrf0);
	(xrf0) =	vmax.scan.msk.u32 $0xffff, v5  }
0x10c: {  	v5 =	vxor.u32 $0x80000000, v9  }
0x10d: {  	v9 =	vxor.u32 $0x80000000, v10;
	(v2sf) =	vpush v5, $0xF  }
0x10e: {  	v10, _, _ =	vpop (xrf0);
	(xrf0) =	vmax.scan.msk.u32 $0xffff, v9  }
0x10f: {  	v9 =	vxor.u32 $0x80000000, v10  }
0x110: {  	s2 =	spop (v2sf);
	(v2sf) =	vpush v9, $0xF  }
0x111: {  	p0 =	sgt.s32 s19, s2;
	v10, _, _ =	vpop (xrf0)  }
0x112: {  	s17 =	sshra.s32 s1, $0x2;
	s2 =	smov.u32 @p0 s19;
	v10 =	vxor.u32 $0x80000000, v10  }
0x113: {  	v11 =	vld [tilespmem:s17+$0x5100];
	vm0 =	vgt.s32 v6, s2;
	s1 =	spop (v2sf);
	(v2sf) =	vpush v10, $0xF  }
0x114: {  	v6 =	vnsel vm0, s2, v6;
	p0 =	sgt.s32 s2, s1;
	v12, _, _ =	vpop (xrf0)  }
0x115: {  	[tilespmem:s18+$0x5110] =	vst v6;
	s1 =	smov.u32 @p0 s2;
	v12 =	vxor.u32 $0x80000000, v12  }
0x116: {  	v6 =	vld [tilespmem:s17+$0x5110];
	vm0 =	vgt.s32 v7, s1;
	s2 =	spop (v2sf);
	(v2sf) =	vpush v12, $0xF  }
0x117: {  	v7 =	vnsel vm0, s1, v7;
	p0 =	sgt.s32 s1, s2  }
0x118: {  	v11 =	vxor.u32 $0x80000000, v11;
	[tilespmem:s18+$0x5120] =	vst v7;
	s2 =	smov.u32 @p0 s1  }
0x119: {  	v7 =	vld [tilespmem:s17+$0x5120];
	(xrf0) =	vmax.scan.msk.u32 $0xffff, v11;
	vm0 =	vgt.s32 v8, s2;
	s1 =	spop (v2sf)  }
0x11a: {  	v8 =	vnsel vm0, s2, v8;
	p0 =	sgt.s32 s2, s1  }
0x11b: {  	v6 =	vxor.u32 $0x80000000, v6;
	[tilespmem:s18+$0x5130] =	vst v8;
	s1 =	smov.u32 @p0 s2  }
0x11c: {  	v11 =	vld [tilespmem:s17+$0x5130];
	(xrf0) =	vmax.scan.msk.u32 $0xffff, v6;
	vm0 =	vgt.s32 v5, s1;
	s2 =	spop (v2sf)  }
0x11d: {  	v8 =	vnsel vm0, s1, v5;
	p0 =	sgt.s32 s1, s2  }
0x11e: {  	v6 =	vxor.u32 $0x80000000, v7;
	[tilespmem:s18+$0x5140] =	vst v8;
	s2 =	smov.u32 @p0 s1  }
0x11f: {  	v7 =	vld [tilespmem:s17+$0x5140];
	v5, _, _ =	vpop (xrf0);
	(xrf0) =	vmax.scan.msk.u32 $0xffff, v6;
	vm0 =	vgt.s32 v9, s2;
	s1 =	spop (v2sf)  }
0x120: {  	v8 =	vxor.u32 $0x80000000, v5;
	v5 =	vnsel vm0, s2, v9;
	p0 =	sgt.s32 s2, s1  }
0x121: {  	v6 =	vxor.u32 $0x80000000, v11;
	(v2sf) =	vpush v8, $0xF;
	[tilespmem:s18+$0x5150] =	vst v5;
	s1 =	smov.u32 @p0 s2  }
.Ltmp6:
0x122: {  	v5 =	vld [tilespmem:s17+$0x5150];
	v9, _, _ =	vpop (xrf0);
	(xrf0) =	vmax.scan.msk.u32 $0xffff, v6;
	vm0 =	vgt.s32 v10, s1;
	s20 =	spop (v2sf);
	(pc) =	sbr.rel @p1 .LBB2_12-.Ltmp6, $4  }
0x123: {  	v6 =	vxor.u32 $0x80000000, v9;
	v9 =	vnsel vm0, s1, v10;
	p0 =	sgt.s32 s1, s20  }
0x124: {  	v7 =	vxor.u32 $0x80000000, v7;
	(v2sf) =	vpush v6, $0xF;
	[tilespmem:s18+$0x5160] =	vst v9;
	s20 =	smov.u32 @p0 s1  }
0x125: {  	v9 =	vld [tilespmem:s17+$0x5160];
	v10, _, _ =	vpop (xrf0);
	(xrf0) =	vmax.scan.msk.u32 $0xffff, v7;
	vm0 =	vgt.s32 v12, s20;
	s19 =	spop (v2sf)  }
0x126: {  	v7 =	vxor.u32 $0x80000000, v10;
	v10 =	vnsel vm0, s20, v12;
	p0 =	sgt.s32 s20, s19  }
0x127: {  	[tilespmem:s18+$0x5170] =	vst v10  }
0x128: {  	v10 =	vld [tilespmem:s17+$0x5170];
	_ =	sdelay $0x2  }
0x129: {  	v5 =	vxor.u32 $0x80000000, v5  }
0x12a: {  	(xrf0) =	vmax.scan.msk.u32 $0xffff, v5;
	v5 =	vxor.u32 $0x80000000, v9  }
0x12b: {  	(xrf0) =	vmax.scan.msk.u32 $0xffff, v5;
	v5 =	vxor.u32 $0x80000000, v10  }
0x12c: {  	(xrf0) =	vmax.scan.msk.u32 $0xffff, v5;
	_ =	sdelay $0x1  }
0x12d: {  	v5, _, _ =	vpop (xrf0)  }
0x12e: {  	(v2sf) =	vpush v7, $0xF;
	v61, _, _ =	vpop (xrf0);
	v13 =	vxor.u32 $0x80000000, v5  }
0x12f: {  	v5, _, _ =	vpop (xrf0);
	(v2sf) =	vpush v13, $0xF;
	v12 =	vxor.u32 $0x80000000, v61  }
0x130: {  	(v2sf) =	vpush v12, $0xF;
	v11 =	vxor.u32 $0x80000000, v5;
	v5, _, _ =	vpop (xrf0)  }
0x131: {  	(v2sf) =	vpush v11, $0xF;
	v62 =	vxor.u32 $0x80000000, v5;
	v5, _, _ =	vpop (xrf0)  }
0x132: {  	(v2sf) =	vpush v62, $0xF;
	v63 =	vxor.u32 $0x80000000, v5  }
0x133: {  	(v2sf) =	vpush v63, $0xF  }
0x134: {  	(v2sf) =	vpush v4, $0xD  }
0x135: {  	(v2sf) =	vpush v4, $0xE  }
0x136: {  	(v2sf) =	vpush v4, $0xA  }
0x137: {  	(v2sf) =	vpush v4, $0xB  }
0x138: {  	(v2sf) =	vpush v4, $0x9  }
0x139: {  	(v2sf) =	vpush v4, $0xC  }
0x13a: {  	(v2sf) =	vpush v4, $0x5  }
0x13b: {  	s23 =	spop (v2sf);
	(v2sf) =	vpush v4, $0x4  }
0x13c: {  	s25 =	spop (v2sf);
	(v2sf) =	vpush v4, $0x7  }
0x13d: {  	s31 =	spop (v2sf);
	(v2sf) =	vpush v4, $0x0  }
0x13e: {  	s0 =	spop (v2sf);
	(v2sf) =	vpush v4, $0xF  }
0x13f: {  	s7 =	spop (v2sf);
	(v2sf) =	vpush v4, $0x3  }
0x140: {  	s8 =	spop (v2sf);
	(v2sf) =	vpush v4, $0x6  }
0x141: {  	s9 =	spop (v2sf);
	(v2sf) =	vpush v4, $0x2  }
0x142: {  	s11 =	spop (v2sf);
	(v2sf) =	vpush v4, $0x1  }
0x143: {  	v5 =	vor.u32 s10, v3;
	[smem:$0x7F1] =	sst s0;
	(v2sf) =	vpush v4, $0x8;
	s0 =	spop (v2sf)  }
0x144: {  	(v2sf) =	vpush v5, $0x6;
	s12 =	spop (v2sf)  }
0x145: {  	s13 =	spop (v2sf);
	(v2sf) =	vpush v5, $0xD  }
0x146: {  	s16 =	spop (v2sf);
	(v2sf) =	vpush v5, $0xC  }
0x147: {  	s14 =	spop (v2sf);
	(v2sf) =	vpush v5, $0xA  }
0x148: {  	(v2sf) =	vpush v5, $0x4;
	s10 =	spop (v2sf)  }
0x149: {  	s15 =	spop (v2sf);
	(v2sf) =	vpush v5, $0x9  }
0x14a: {  	s4 =	spop (v2sf);
	(v2sf) =	vpush v5, $0x5  }
0x14b: {  	[smem:$0x7F5] =	sst s9;
	s9 =	spop (v2sf)  }
0x14c: {  	(v2sf) =	vpush v5, $0x2;
	s5 =	spop (v2sf)  }
0x14d: {  	(v2sf) =	vpush v5, $0x3;
	s1 =	spop (v2sf)  }
0x14e: {  	s2 =	spop (v2sf)  }
0x14f: {  	[smem:$0x7F2] =	sst s7;
	(v2sf) =	vpush v5, $0x1;
	s3 =	spop (v2sf)  }
0x150: {  	[smem:$0x7F3] =	sst s8;
	s6 =	spop (v2sf)  }
0x151: {  	[smem:$0x7E6] =	sst s0;
	s7 =	spop (v2sf)  }
0x152: {  	[smem:$0x7E7] =	sst s12;
	s30 =	spop (v2sf)  }
0x153: {  	[smem:$0x7F6] =	sst s13;
	s12 =	spop (v2sf)  }
0x154: {  	[smem:$0x7E2] =	sst s14;
	s18 =	spop (v2sf)  }
0x155: {  	[smem:$0x7E4] =	sst s15;
	s26 =	sshra.s32 s7, $0x1F;
	s28 =	spop (v2sf)  }
0x156: {  	[smem:$0x7ED] =	sst s26;
	s21 =	spop (v2sf)  }
0x157: {  	s19 =	smov.u32 @p0 s20;
	[smem:$0x7E8] =	sst s18;
	s13 =	spop (v2sf)  }
0x158: {  	p0 =	sgt.s32 s19, s23;
	[smem:$0x7F7] =	sst s21;
	s22 =	spop (v2sf)  }
0x159: {  	(v2sf) =	vpush v5, $0xF;
	s7 =	sxor.u32 s26, s7;
	[smem:$0x7E3] =	sst s22;
	s24 =	spop (v2sf)  }
0x15a: {  	s7 =	ssub.s32 s7, s26;
	s22 =	sshra.s32 s3, $0x1F;
	[smem:$0x7E5] =	sst s24  }
0x15b: {  	s8 =	spop (v2sf);
	[smem:$0x7EB] =	sst s22;
	s24 =	sshra.s32 s12, $0x1F  }
0x15c: {  	s3 =	sxor.u32 s22, s3;
	s15 =	spop (v2sf);
	s29 =	sshra.s32 s8, $0x1F  }
0x15d: {  	(v2sf) =	vpush v5, $0x0;
	[smem:$0x7EC] =	sst s24;
	s3 =	ssub.s32 s3, s22;
	s22 =	sshra.s32 s5, $0x1F  }
0x15e: {  	s11 =	spop (v2sf);
	[smem:$0x7E9] =	sst s29;
	s8 =	sxor.u32 s29, s8  }
0x15f: {  	(v2sf) =	vpush v5, $0x7;
	s5 =	sxor.u32 s22, s5;
	s14 =	sshra.s32 s11, $0x1F;
	s18 =	ssub.s32 s8, s29  }
0x160: {  	s29 =	sxor.u32 s24, s12;
	s8 =	sshra.s32 s1, $0x1F;
	s5 =	ssub.s32 s5, s22  }
0x161: {  	[smem:$0x7EE] =	sst s14;
	s11 =	sxor.u32 s14, s11;
	s12 =	ssub.s32 s29, s24  }
0x162: {  	s1 =	sxor.u32 s8, s1;
	[smem:$0x7EF] =	sst s8;
	s24 =	sshra.s32 s15, $0x1F  }
0x163: {  	(v2sf) =	vpush v5, $0x8;
	s26 =	ssub.s32 s11, s14;
	s14 =	sshra.s32 s6, $0x1F;
	s11 =	smov.u32 s8  }
0x164: {  	s15 =	sxor.u32 s24, s15;
	[smem:$0x7EA] =	sst s14;
	(drf) =	sdiv.u32 s26, s7  }
0x165: {  	s6 =	sxor.u32 s14, s6;
	s26 =	sshra.s32 s2, $0x1F;
	s15 =	ssub.s32 s15, s24  }
0x166: {  	s1 =	ssub.s32 s1, s11;
	s21 =	ssub.s32 s6, s14;
	s2 =	sxor.u32 s26, s2  }
0x167: {  	(drf) =	sdiv.u32 s18, s21;
	s2 =	ssub.s32 s2, s26;
	s18 =	sshra.s32 s9, $0x1F  }
0x168: {  	(drf) =	sdiv.u32 s12, s3;
	s12 =	spop (v2sf);
	(v2sf) =	vpush v5, $0xB;
	s29 =	sxor.u32 s18, s9  }
0x169: {  	s9 =	sshra.s32 s10, $0x1F;
	s14 =	sshra.s32 s12, $0x1F;
	(drf) =	sdiv.u32 s15, s2  }
0x16a: {  	[smem:$0x7F4] =	sst s9;
	s11 =	sxor.u32 s9, s10;
	s10 =	sshra.s32 s16, $0x1F  }
0x16b: {  	[smem:$0x7F0] =	sst s14;
	s0 =	sxor.u32 s14, s12;
	s12 =	sshra.s32 s13, $0x1F  }
0x16c: {  	s0 =	ssub.s32 s0, s14;
	s14 =	sshra.s32 s4, $0x1F;
	s15 =	spop (v2sf)  }
0x16d: {  	s8 =	sxor.u32 s12, s13;
	(drf) =	sdiv.u32 s0, s1;
	s21 =	sshra.s32 s15, $0x1F  }
0x16e: {  	s7 =	sxor.u32 s14, s4;
	s0 =	sxor.u32 s21, s15;
	s3 =	spop (v2sf)  }
0x16f: {  	s2 =	ssub.s32 s8, s12;
	s1 =	ssub.s32 s0, s21;
	s15 =	sshra.s32 s3, $0x1F  }
0x170: {  	(drf) =	sdiv.u32 s1, s5;
	s5 =	ssub.s32 s29, s18;
	s0 =	sxor.u32 s15, s3  }
0x171: {  	s1 =	ssub.s32 s7, s14;
	s29 =	sshra.s32 s28, $0x1F;
	s6 =	ssub.s32 s0, s15  }
0x172: {  	(v2sf) =	vpush v5, $0xE;
	s13 =	sxor.u32 s29, s28;
	s0 =	spop (v2sf);
	(drf) =	sdiv.u32 s6, s5  }
0x173: {  	s8 =	sshra.s32 s0, $0x1F;
	s5 =	sxor.u32 s10, s16;
	s16 =	sld [smem:$0x7E3]  }
0x174: {  	(drf) =	sdiv.u32 s2, s1;
	s1 =	ssub.s32 s11, s9;
	s2 =	ssub.s32 s13, s29  }
0x175: {  	s9 =	sshra.s32 s30, $0x1F;
	s3 =	sxor.u32 s8, s0;
	s11 =	sld [smem:$0x7E2]  }
0x176: {  	s0 =	sld [smem:$0x7E6];
	(drf) =	sdiv.u32 s2, s1;
	s2 =	sxor.u32 s9, s30  }
0x177: {  	s1 =	ssub.s32 s2, s9;
	s2 =	ssub.s32 s3, s8;
	s4 =	spop (v2sf)  }
0x178: {  	s3 =	sld [smem:$0x7E4];
	(drf) =	sdiv.u32 s2, s1;
	s7 =	sshra.s32 s4, $0x1F  }
0x179: {  	s6 =	sshra.s32 s11, $0x1F;
	s13 =	sxor.u32 s7, s4;
	s4 =	sld [smem:$0x7E5]  }
0x17a: {  	s2 =	ssub.s32 s5, s10;
	s5 =	sshra.s32 s16, $0x1F;
	s28 =	sxor.u32 s6, s11  }
0x17b: {  	s1 =	sxor.u32 s5, s16;
	s16 =	sshra.s32 s3, $0x1F;
	s13 =	ssub.s32 s13, s7  }
0x17c: {  	(drf) =	sdiv.u32 s13, s2;
	s2 =	ssub.s32 s28, s6;
	s11 =	sshra.s32 s4, $0x1F  }
0x17d: {  	s28 =	sxor.u32 s16, s3;
	s13 =	ssub.s32 s1, s5;
	s30 =	sxor.u32 s11, s4  }
0x17e: {  	(drf) =	sdiv.u32 s13, s2;
	s3 =	ssub.s32 s28, s16;
	s4 =	ssub.s32 s30, s11  }
0x17f: {  	s23 =	smov.u32 @p0 s19;
	(drf) =	sdiv.u32 s4, s3;
	s4 =	sld [smem:$0x7E7]  }
0x180: {  	p0 =	sgt.s32 s23, s25;
	s2 =	sshra.s32 s0, $0x1F  }
0x181: {  	s13 =	sxor.u32 s2, s0;
	[dreg:$0x3] =	wrdreg s2;
	s3 =	spop (v2sf)  }
0x182: {  	s13 =	ssub.s32 s13, s2;
	s28 =	sshra.s32 s3, $0x1F;
	s30 =	sshra.s32 s4, $0x1F  }
0x183: {  	s3 =	sxor.u32 s28, s3;
	s0 =	sxor.u32 s30, s4;
	s4 =	sld [smem:$0x7E8]  }
0x184: {  	s2 =	sld [smem:$0x7E9];
	s3 =	ssub.s32 s3, s28;
	s0 =	ssub.s32 s0, s30  }
0x185: {  	s25 =	smov.u32 @p0 s23;
	(drf) =	sdiv.u32 s3, s0;
	s3 =	sld [smem:$0x7EA]  }
0x186: {  	s0 =	sxor.u32 s26, s24;
	s24 =	sld [smem:$0x7F0];
	s1 =	sshra.s32 s4, $0x1F  }
0x187: {  	p0 =	sgt.s32 s25, s31;
	s4 =	sxor.u32 s1, s4;
	[dreg:$0x6] =	wrdreg s1  }
0x188: {  	s1 =	ssub.s32 s4, s1;
	s20 =	sxor.u32 s3, s2;
	s4 =	sld [smem:$0x7EB]  }
0x189: {  	s2 =	sxor.u32 s22, s21;
	s22 =	sld [smem:$0x7EF];
	(drf) =	sdiv.u32 s1, s13  }
0x18a: {  	vm0 =	vgt.s32 v8, s19;
	s1 =	sxor.u32 s18, s15;
	s18 =	sxor.u32 s14, s12;
	s12 =	sld [smem:$0x7EC]  }
0x18b: {  	v8 =	vnsel vm0, s19, v8;
	vm0 =	vgt.s32 v6, s23;
	s31 =	smov.u32 @p0 s25;
	s6 =	sxor.u32 s6, s5;
	s13 =	sld [smem:$0x7ED]  }
0x18c: {  	v6 =	vnsel vm0, s23, v6;
	s14 =	sld [smem:$0x7EE];
	s15 =	spop (drf);
	s23 =	smov.u32 s20  }
0x18d: {  	s21 =	spop (drf);
	s20 =	smov.u32 s18;
	s18 =	smov.u32 s1  }
0x18e: {  	s26 =	sxor.u32 s22, s24;
	s22 =	spop (drf);
	s12 =	sxor.u32 s4, s12  }
0x18f: {  	s14 =	sxor.u32 s13, s14;
	s13 =	sxor.u32 s9, s8;
	s8 =	sxor.u32 s10, s7  }
0x190: {  	s4 =	spop (drf);
	s10 =	sld [smem:$0x7F1];
	s3 =	sxor.u32 s14, s15  }
0x191: {  	s9 =	spop (drf);
	s19 =	sxor.u32 s0, s4;
	s14 =	ssub.s32 s3, s14  }
0x192: {  	s24 =	sxor.u32 s26, s9;
	s9 =	sld [smem:$0x7F2];
	s3 =	sxor.u32 s16, s11  }
0x193: {  	s11 =	sld [smem:$0x7F3];
	p0 =	sgt.s32 s31, s10;
	s5 =	ssub.s32 s24, s26  }
0x194: {  	vm0 =	vgt.s32 v7, s25;
	s26 =	spop (drf);
	s24 =	sld [smem:$0x7F4];
	s10 =	smov.u32 @p0 s31  }
0x195: {  	v7 =	vnsel vm0, s25, v7;
	vm0 =	vgt.s32 v13, s31;
	s0 =	ssub.s32 s19, s0;
	s7 =	sxor.u32 s2, s26;
	p0 =	sgt.s32 s10, s9  }
0x196: {  	[tilespmem:s17+$0x5110] =	vst v6;
	v6 =	vnsel vm0, s31, v13;
	s31 =	sld [smem:$0x7F7];
	s15 =	smov.u32 s10;
	s9 =	smov.u32 @p0 s10  }
0x197: {  	s10 =	ssub.s32 s7, s2;
	s7 =	sxor.u32 s24, s29;
	s2 =	sld [smem:$0x7F5]  }
0x198: {  	vm0 =	vgt.s32 v12, s15;
	s29 =	sld [smem:$0x7F6];
	p0 =	sgt.s32 s9, s11;
	s25 =	smov.u32 s9  }
0x199: {  	[tilespmem:s17+$0x5120] =	vst v7;
	s24 =	sshra.s32 s31, $0x1F;
	v7 =	vnsel vm0, s15, v12;
	vm0 =	vgt.s32 v11, s9;
	s15 =	sxor.u32 s23, s21;
	s11 =	smov.u32 @p0 s9  }
0x19a: {  	[tilespmem:s17+$0x5130] =	vst v6;
	s19 =	sxor.u32 s24, s31;
	v6 =	vnsel vm0, s25, v11;
	s25 =	spop (drf);
	s9 =	sxor.u32 s12, s22  }
0x19b: {  	[tilespmem:s17+$0x5100] =	vst v8;
	s31 =	sld [smem:$0x7FD];
	p0 =	sgt.s32 s11, s2;
	s26 =	sshra.s32 s29, $0x1F  }
0x19c: {  	vm1 =	vcmask $0x300;
	[tilespmem:s17+$0x5140] =	vst v7;
	vm0 =	vgt.s32 v62, s11;
	s4 =	ssub.s32 s19, s24;
	s2 =	smov.u32 @p0 s11;
	s16 =	sxor.u32 s26, s29  }
0x19d: {  	v8 =	vmov s5;
	s19 =	simm.s32 $0x40;
	[tilespmem:s17+$0x5150] =	vst v6;
	v7 =	vnsel vm0, s11, v62;
	s29 =	spop (drf);
	vm0 =	vgt.s32 v63, s2;
	s5 =	ssub.s32 s16, s26  }
0x19e: {  	[tilespmem:s17+$0x5160] =	vst v7;
	v7 =	vsel vm1, s10, v8;
	s22 =	sadd.s32 $0x10, s31;
	s11 =	spop (drf);
	s16 =	sxor.u32 s20, s29;
	v6 =	vnsel vm0, s2, v63  }
0x19f: {  	s10 =	sxor.u32 s1, s25;
	[tilespmem:s17+$0x5170] =	vst v6;
	v6 =	vsel vm2, s14, v7;
	s14 =	spop (drf);
	s17 =	simm.s32 $0x0  }
.LBB2_14:
0x1a0: {  	(v2sf) =	vpush v4, $0xD  }
0x1a1: {  	(v2sf) =	vpush v4, $0xE;
	_ =	sdelay $0x1  }
0x1a2: {  	[dreg:$0x5] =	wrdreg s22;
	(v2sf) =	vpush v4, $0xA  }
0x1a3: {  	s9 =	ssub.s32 s9, s12;
	(drf) =	sdiv.u32 s4, s5;
	s4 =	smov.u32 s19  }
0x1a4: {  	s2 =	ssub.s32 s16, s20;
	s11 =	sxor.u32 s7, s11;
	s15 =	ssub.s32 s15, s23;
	(v2sf) =	vpush v4, $0xB  }
0x1a5: {  	s14 =	sxor.u32 s13, s14;
	s23 =	sadd.s32 $0x40, s19;
	v6 =	vsel vm3, s15, v6;
	s15 =	rddreg [dreg:$0x3];
	(v2sf) =	vpush v4, $0x9  }
0x1a6: {  	s13 =	ssub.s32 s14, s13;
	[dreg:$0x4] =	wrdreg s23;
	s1 =	spop (drf);
	(v2sf) =	vpush v4, $0xC  }
0x1a7: {  	s5 =	sxor.u32 s8, s1;
	s1 =	rddreg [dreg:$0x6];
	s21 =	spop (drf)  }
0x1a8: {  	s5 =	ssub.s32 s5, s8;
	s8 =	sxor.u32 s30, s28;
	s25 =	spop (drf);
	(v2sf) =	vpush v4, $0x5  }
0x1a9: {  	v6 =	vsel vm4, s0, v6;
	s12 =	sxor.u32 s6, s21;
	s21 =	ssub.s32 s10, s18;
	s29 =	sxor.u32 s3, s25  }
0x1aa: {  	v6 =	vsel vm5, s2, v6;
	s31 =	spop (drf);
	s6 =	ssub.s32 s12, s6;
	s0 =	ssub.s32 s29, s3;
	(v2sf) =	vpush v4, $0x4  }
0x1ab: {  	s25 =	sxor.u32 s26, s24;
	s16 =	sxor.u32 s8, s31;
	s20 =	spop (drf);
	v6 =	vsel vm6, s0, v6  }
0x1ac: {  	s29 =	ssub.s32 s11, s7;
	s31 =	smov.u32 s4;
	s0 =	sxor.u32 s15, s1;
	(v2sf) =	vpush v4, $0x7;
	v6 =	vsel vm7, s9, v6  }
0x1ad: {  	[dreg:$0x7] =	wrdreg s31;
	s3 =	sxor.u32 s0, s20;
	s26 =	spop (drf);
	v6 =	vsel vm8, s21, v6  }
0x1ae: {  	(v2sf) =	vpush v4, $0x0;
	s0 =	ssub.s32 s3, s0;
	s3 =	sxor.u32 s25, s26;
	v6 =	vsel vm9, s13, v6;
	s7 =	spop (v2sf)  }
0x1af: {  	(v2sf) =	vpush v4, $0xF;
	s1 =	ssub.s32 s3, s25;
	v6 =	vsel vm10, s6, v6;
	s6 =	ssub.s32 s16, s8;
	s8 =	spop (v2sf)  }
0x1b0: {  	p0 =	sne.s32 s19, $0x7FC0;
	(v2sf) =	vpush v4, $0x3;
	v6 =	vsel vm11, s1, v6;
	s24 =	sshra.s32 s7, $0x1F;
	[dreg:$0x9] =	wrdreg s8  }
0x1b1: {  	s15 =	simm.s32 $0x880;
	(v2sf) =	vpush v4, $0x6;
	v6 =	vsel vm12, s5, v6;
	s9 =	spop (v2sf);
	[dreg:$0x3] =	wrdreg s24  }
0x1b2: {  	s3 =	sshra.s32 s17, $0x2;
	(v2sf) =	vpush v4, $0x2;
	v6 =	vsel vm13, s29, v6;
	s29 =	sxor.u32 s24, s7;
	[dreg:$0x15] =	wrdreg s9  }
0x1b3: {  	(v2sf) =	vpush v4, $0x1;
	v6 =	vsel vm14, s0, v6;
	s10 =	spop (v2sf);
	s26 =	sshra.s32 s9, $0x1F;
	s0 =	ssub.s32 s29, s24  }
0x1b4: {  	(v2sf) =	vpush v4, $0x8;
	s12 =	spop (v2sf);
	s23 =	sshra.s32 s10, $0x1F;
	[dreg:$0x8] =	wrdreg s0  }
0x1b5: {  	v8 =	vor.u32 s22, v3;
	v7 =	vld [tilespmem:s3+$0x5100];
	v6 =	vsel vm15, s6, v6;
	s17 =	spop (v2sf);
	s16 =	smov.u32 s23;
	s6 =	sxor.u32 s23, s10  }
0x1b6: {  	v9 =	vxor.u32 $0xFFFFFFFF, v5;
	v5 =	vmov v8;
	(v2sf) =	vpush v8, $0x6;
	s25 =	sshra.s32 s12, $0x1F;
	[dreg:$0xb] =	wrdreg s16;
	s1 =	ssub.s32 s6, s16  }
0x1b7: {  	(v2sf) =	vpush v5, $0xD;
	s21 =	spop (v2sf);
	s18 =	smov.u32 s25;
	[dreg:$0xc] =	wrdreg s1  }
0x1b8: {  	s2 =	sshra.s32 s17, $0x1F;
	s7 =	sxor.u32 s25, s12;
	[dreg:$0xe] =	wrdreg s18  }
0x1b9: {  	v10 =	vshll.u32 v6, $0xB;
	s11 =	spop (v2sf);
	s31 =	sshra.s32 s21, $0x1F;
	[dreg:$0xa] =	wrdreg s2  }
0x1ba: {  	(v2sf) =	vpush v5, $0xC;
	v10 =	vsub.s32 v7, v10;
	s22 =	ssub.s32 s7, s18;
	s24 =	sxor.u32 s2, s17;
	[dreg:$0x12] =	wrdreg s31  }
0x1bb: {  	v11 =	vand.u32 $0x7F, v7;
	(v2sf) =	vpush v5, $0xA;
	v10 =	vand.u32 $0xFFFFFF80, v10;
	s14 =	spop (v2sf);
	[dreg:$0xd] =	wrdreg s22;
	s31 =	sxor.u32 s31, s21  }
0x1bc: {  	(v2sf) =	vpush v5, $0x4;
	v62 =	vor.u32 v11, v10;
	s29 =	sshra.s32 s11, $0x1F;
	s4 =	ssub.s32 s24, s2;
	[dreg:$0x11] =	wrdreg s31  }
0x1bd: {  	(v2sf) =	vpush v5, $0x9;
	s5 =	spop (v2sf);
	s8 =	sshra.s32 s14, $0x1F;
	[dreg:$0xf] =	wrdreg s4  }
0x1be: {  	(v2sf) =	vpush v5, $0x5;
	s11 =	sxor.u32 s29, s11;
	s0 =	spop (v2sf);
	s13 =	sshra.s32 s5, $0x1F  }
0x1bf: {  	(v2sf) =	vpush v5, $0x2;
	[dreg:$0x18] =	wrdreg s11;
	s14 =	sxor.u32 s8, s14;
	s23 =	spop (v2sf)  }
0x1c0: {  	s6 =	sshra.s32 s0, $0x1F;
	s1 =	sxor.u32 s13, s5;
	s20 =	spop (v2sf)  }
0x1c1: {  	v8 =	vmul.u32 v4, v6;
	vm0 =	vlt.s32 v6, $0x10;
	(v2sf) =	vpush v5, $0x3;
	v6 =	vld.idx.msk [tilespmem:v62+s15+$0x0], $0xffff;
	[dreg:$0x1b] =	wrdreg s6;
	s2 =	sxor.u32 s6, s0;
	s19 =	spop (v2sf)  }
0x1c2: {  	(v2sf) =	vpush v5, $0x1;
	s12 =	sshra.s32 s20, $0x1F;
	s15 =	spop (v2sf);
	s18 =	sshra.s32 s19, $0x1F  }
0x1c3: {  	(v2sf) =	vpush v5, $0xF;
	s11 =	sxor.u32 s12, s20;
	s20 =	ssub.s32 s14, s8;
	s25 =	spop (v2sf)  }
0x1c4: {  	v8 =	vadd.s32 v9, v8;
	s10 =	sxor.u32 s18, s19;
	s16 =	sshra.s32 s15, $0x1F;
	[dreg:$0x13] =	wrdreg s20  }
0x1c5: {  	v63 =	vnsel vm0, $0x0, v7;
	v7 =	vadd.s32 v7, v8;
	(v2sf) =	vpush v5, $0x0;
	s17 =	sshra.s32 s25, $0x1F;
	s21 =	spop (v2sf);
	[smem:$0x7DD] =	sst s10  }
0x1c6: {  	v6 =	vadd.s32 v6, v7;
	s10 =	sshra.s32 s23, $0x1F;
	s9 =	sxor.u32 s17, s25;
	s7 =	spop (v2sf)  }
0x1c7: {  	[tilespmem:s3+$0x3100] =	vst v63;
	(v2sf) =	vpush v5, $0x7;
	s15 =	sxor.u32 s16, s15;
	v6 =	vnsel vm0, $0x1, v6;
	[dreg:$0x17] =	wrdreg s7;
	s19 =	ssub.s32 s9, s17  }
0x1c8: {  	s23 =	sxor.u32 s10, s23;
	[tilespmem:s3+$0x1100] =	vst v6;
	s3 =	ssub.s32 s11, s12;
	[dreg:$0x10] =	wrdreg s19  }
0x1c9: {  	s30 =	spop (v2sf);
	s9 =	sshra.s32 s7, $0x1F;
	[smem:$0x7DF] =	sst s3  }
0x1ca: {  	s22 =	spop (v2sf);
	s31 =	sshra.s32 s30, $0x1F;
	[dreg:$0x6] =	wrdreg s9  }
0x1cb: {  	s19 =	ssub.s32 s1, s13;
	s25 =	spop (v2sf);
	[dreg:$0x1e] =	wrdreg s31  }
0x1cc: {  	[dreg:$0x1a] =	wrdreg s19;
	s31 =	ssub.s32 s2, s6;
	s24 =	spop (v2sf)  }
0x1cd: {  	[dreg:$0x1c] =	wrdreg s31;
	s0 =	sshra.s32 s25, $0x1F;
	s28 =	spop (v2sf)  }
0x1ce: {  	s25 =	sxor.u32 s0, s25;
	s4 =	spop (v2sf);
	s20 =	sshra.s32 s28, $0x1F  }
0x1cf: {  	s25 =	ssub.s32 s25, s0;
	s0 =	sxor.u32 s29, s0;
	[dreg:$0x1d] =	wrdreg s20  }
0x1d0: {  	(v2sf) =	vpush v5, $0x8;
	s7 =	spop (v2sf);
	s1 =	sshra.s32 s4, $0x1F;
	[dreg:$0x19] =	wrdreg s0  }
0x1d1: {  	s19 =	spop (v2sf);
	s31 =	sxor.u32 s1, s4;
	s4 =	sxor.u32 s18, s1  }
0x1d2: {  	s11 =	sshra.s32 s7, $0x1F;
	s5 =	spop (v2sf);
	[dreg:$0x16] =	wrdreg s4  }
0x1d3: {  	(v2sf) =	vpush v5, $0xB;
	s6 =	ssub.s32 s31, s1;
	s4 =	sshra.s32 s21, $0x1F;
	s0 =	sxor.u32 s10, s11  }
0x1d4: {  	s7 =	sxor.u32 s11, s7;
	s2 =	spop (v2sf);
	[smem:$0x7DE] =	sst s6  }
0x1d5: {  	s21 =	sxor.u32 s4, s21;
	s6 =	rddreg [dreg:$0x15];
	s20 =	sshra.s32 s5, $0x1F  }
0x1d6: {  	s12 =	sxor.u32 s12, s4;
	s14 =	spop (v2sf);
	s3 =	sxor.u32 s26, s6  }
0x1d7: {  	s31 =	ssub.s32 s21, s4;
	s21 =	sshra.s32 s2, $0x1F;
	s6 =	ssub.s32 s15, s16  }
0x1d8: {  	s5 =	sxor.u32 s20, s5;
	s1 =	sshra.s32 s14, $0x1F;
	s2 =	sxor.u32 s21, s2  }
0x1d9: {  	[dreg:$0x1f] =	wrdreg s3;
	s14 =	sxor.u32 s1, s14;
	s2 =	ssub.s32 s2, s21  }
0x1da: {  	s3 =	ssub.s32 s14, s1;
	[smem:$0x7E0] =	sst s2;
	s14 =	ssub.s32 s23, s10  }
0x1db: {  	s23 =	sshra.s32 s24, $0x1F;
	s2 =	sshra.s32 s19, $0x1F;
	s1 =	sxor.u32 s8, s1  }
0x1dc: {  	s15 =	sxor.u32 s23, s24;
	s24 =	sld [smem:$0x7DD];
	s8 =	sxor.u32 s2, s19  }
0x1dd: {  	(v2sf) =	vpush v5, $0xE;
	s8 =	ssub.s32 s8, s2;
	s2 =	sxor.u32 s16, s2;
	s16 =	sld [smem:$0x7DE]  }
0x1de: {  	s7 =	ssub.s32 s7, s11;
	s5 =	ssub.s32 s5, s20;
	[smem:$0x7E1] =	sst s3  }
0x1df: {  	s3 =	spop (v2sf);
	(drf) =	sdiv.u32 s8, s6;
	s18 =	ssub.s32 s24, s18  }
0x1e0: {  	s10 =	sxor.u32 s13, s21;
	(drf) =	sdiv.u32 s16, s18;
	s18 =	sld [smem:$0x7DF]  }
0x1e1: {  	[dreg:$0x14] =	wrdreg s1;
	s1 =	smov.u32 s29;
	s11 =	sshra.s32 s3, $0x1F  }
0x1e2: {  	s24 =	sshra.s32 s22, $0x1F;
	s16 =	rddreg [dreg:$0x11];
	s29 =	spop (v2sf)  }
0x1e3: {  	s3 =	sxor.u32 s11, s3;
	(drf) =	sdiv.u32 s31, s18;
	s31 =	rddreg [dreg:$0x1c]  }
0x1e4: {  	s19 =	sxor.u32 s24, s22;
	s18 =	rddreg [dreg:$0x1a];
	s21 =	sshra.s32 s29, $0x1F  }
0x1e5: {  	(drf) =	sdiv.u32 s7, s14;
	s4 =	sxor.u32 s21, s29;
	s29 =	rddreg [dreg:$0x1e]  }
0x1e6: {  	s3 =	ssub.s32 s3, s11;
	(drf) =	sdiv.u32 s5, s31;
	s31 =	rddreg [dreg:$0x12]  }
0x1e7: {  	s13 =	sxor.u32 s29, s30;
	s30 =	rddreg [dreg:$0x18];
	s14 =	ssub.s32 s16, s31  }
0x1e8: {  	s16 =	rddreg [dreg:$0x1b];
	s6 =	ssub.s32 s13, s29;
	s13 =	sxor.u32 s17, s11  }
0x1e9: {  	s11 =	ssub.s32 s4, s21;
	s4 =	ssub.s32 s19, s24;
	s19 =	rddreg [dreg:$0x17]  }
0x1ea: {  	s7 =	sxor.u32 s9, s19;
	s19 =	sld [smem:$0x7E0]  }
0x1eb: {  	s17 =	rddreg [dreg:$0x1d]  }
0x1ec: {  	s22 =	spop (v2sf);
	s16 =	sxor.u32 s16, s20;
	s20 =	sld [smem:$0x7E1]  }
0x1ed: {  	s15 =	ssub.s32 s15, s23;
	(drf) =	sdiv.u32 s19, s18;
	s18 =	rddreg [dreg:$0x1f]  }
0x1ee: {  	s1 =	ssub.s32 s30, s1;
	s8 =	sxor.u32 s17, s28;
	s19 =	rddreg [dreg:$0x13]  }
0x1ef: {  	s28 =	sshra.s32 s22, $0x1F;
	s5 =	ssub.s32 s18, s26;
	s18 =	rddreg [dreg:$0x9]  }
0x1f0: {  	(drf) =	sdiv.u32 s20, s19;
	s19 =	sxor.u32 s28, s22;
	s22 =	rddreg [dreg:$0x5]  }
0x1f1: {  	s7 =	ssub.s32 s7, s9;
	s20 =	rddreg [dreg:$0xf];
	s30 =	sshra.s32 s18, $0x1F  }
0x1f2: {  	(drf) =	sdiv.u32 s25, s1;
	s1 =	ssub.s32 s8, s17;
	s25 =	smov.u32 s17  }
0x1f3: {  	s17 =	ssub.s32 s19, s28;
	s19 =	spop (drf);
	s8 =	rddreg [dreg:$0xc]  }
0x1f4: {  	(drf) =	sdiv.u32 s6, s20;
	s9 =	sxor.u32 s30, s18;
	s20 =	rddreg [dreg:$0x10]  }
0x1f5: {  	s18 =	sxor.u32 s2, s19;
	s19 =	spop (drf);
	s6 =	rddreg [dreg:$0xe]  }
0x1f6: {  	(drf) =	sdiv.u32 s3, s20;
	s3 =	ssub.s32 s9, s30;
	s9 =	spop (drf)  }
0x1f7: {  	s6 =	sxor.u32 s6, s23;
	s23 =	rddreg [dreg:$0x16];
	s20 =	spop (drf)  }
0x1f8: {  	(drf) =	sdiv.u32 s11, s8;
	s11 =	rddreg [dreg:$0xb]  }
0x1f9: {  	s8 =	sxor.u32 s11, s21;
	s11 =	spop (drf);
	s21 =	rddreg [dreg:$0xd]  }
0x1fa: {  	s2 =	ssub.s32 s18, s2;
	(drf) =	sdiv.u32 s15, s21;
	s11 =	sxor.u32 s16, s11  }
0x1fb: {  	s15 =	ssub.s32 s11, s16;
	s16 =	rddreg [dreg:$0x8];
	s21 =	spop (drf)  }
0x1fc: {  	(drf) =	sdiv.u32 s1, s14;
	s14 =	sxor.u32 s10, s21;
	s21 =	spop (drf)  }
0x1fd: {  	v6 =	vmov s15;
	s15 =	sxor.u32 s23, s19;
	s19 =	rddreg [dreg:$0x4];
	s18 =	spop (drf)  }
0x1fe: {  	(drf) =	sdiv.u32 s17, s3;
	s17 =	rddreg [dreg:$0x7];
	s3 =	sxor.u32 s31, s25  }
.Ltmp7:
0x1ff: {  	s25 =	sxor.u32 s0, s20;
	s20 =	rddreg [dreg:$0x19];
	(pc) =	sbr.rel @p0 .LBB2_14-.Ltmp7, $4  }
0x200: {  	s22 =	sadd.s32 $0x10, s22;
	s9 =	sxor.u32 s12, s9;
	s31 =	rddreg [dreg:$0xa]  }
0x201: {  	s1 =	ssub.s32 s14, s10;
	s11 =	spop (drf);
	(drf) =	sdiv.u32 s7, s16  }
0x202: {  	v6 =	vsel vm1, s1, v6;
	s7 =	sxor.u32 s31, s29;
	s16 =	sxor.u32 s20, s18;
	s18 =	rddreg [dreg:$0x14]  }
0x203: {  	s0 =	ssub.s32 s25, s0;
	s14 =	spop (drf);
	v6 =	vsel vm2, s2, v6;
	s10 =	sxor.u32 s18, s21  }
0x204: {  	(drf) =	sdiv.u32 s4, s5;
	_ =	sdelay $0x1  }
0x205: {  	s1 =	spop (drf)  }
0x206: {  	s2 =	ssub.s32 s15, s23;
	s19 =	spop (drf)  }
0x207: {  	v6 =	vsel vm3, s2, v6;
	s21 =	spop (drf)  }
0x208: {  	s22 =	ssub.s32 s16, s20;
	v6 =	vsel vm4, s0, v6;
	s23 =	sxor.u32 s3, s21  }
0x209: {  	s25 =	ssub.s32 s9, s12;
	v6 =	vsel vm5, s22, v6;
	s0 =	ssub.s32 s23, s3  }
0x20a: {  	s29 =	sxor.u32 s13, s14;
	s9 =	ssub.s32 s10, s18;
	s31 =	spop (drf);
	v6 =	vsel vm6, s0, v6  }
0x20b: {  	s18 =	rddreg [dreg:$0x3];
	s12 =	sxor.u32 s6, s19;
	v6 =	vsel vm7, s25, v6;
	s10 =	spop (drf)  }
0x20c: {  	s3 =	ssub.s32 s29, s13;
	s13 =	sxor.u32 s26, s24;
	v6 =	vsel vm8, s9, v6;
	s14 =	spop (drf)  }
0x20d: {  	s20 =	sxor.u32 s7, s11;
	s2 =	ssub.s32 s12, s6;
	v6 =	vsel vm9, s3, v6;
	s15 =	sxor.u32 s13, s14  }
0x20e: {  	s1 =	sxor.u32 s8, s1;
	s19 =	rddreg [dreg:$0x6];
	v6 =	vsel vm10, s2, v6;
	s16 =	ssub.s32 s15, s13  }
0x20f: {  	s1 =	ssub.s32 s1, s8;
	s21 =	sshra.s32 s17, $0x2;
	s3 =	sxor.u32 s18, s19;
	v6 =	vsel vm11, s16, v6  }
0x210: {  	s22 =	sxor.u32 s30, s28;
	v7 =	vld [tilespmem:s21+$0x5100];
	s2 =	ssub.s32 s20, s7;
	s23 =	sxor.u32 s3, s10;
	v6 =	vsel vm12, s1, v6  }
0x211: {  	s0 =	sxor.u32 s22, s31;
	s1 =	ssub.s32 s23, s3;
	v6 =	vsel vm13, s2, v6  }
0x212: {  	s0 =	ssub.s32 s0, s22;
	v6 =	vsel vm14, s1, v6  }
0x213: {  	v6 =	vsel vm15, s0, v6  }
0x214: {  	v8 =	vshll.u32 v6, $0xB  }
0x215: {  	v8 =	vsub.s32 v7, v8  }
0x216: {  	v9 =	vand.u32 $0x7F, v7;
	v8 =	vand.u32 $0xFFFFFF80, v8  }
0x217: {  	v8 =	vor.u32 v9, v8;
	_ =	sdelay $0x3  }
0x218: {  	s24 =	simm.s32 $0x880  }
0x219: {  	v8 =	vld.idx.msk [tilespmem:v8+s24+$0x0], $0xffff  }
0x21a: {  	v4 =	vmul.u32 v4, v6  }
0x21b: {  	v5 =	vxor.u32 $0xFFFFFFFF, v5  }
0x21c: {  	v4 =	vadd.s32 v5, v4  }
0x21d: {  	vm0 =	vlt.s32 v6, $0x10;
	v4 =	vadd.s32 v7, v4  }
0x21e: {  	s25 =	sld [smem:$0x7FA];
	v5 =	vnsel vm0, $0x0, v7;
	v4 =	vadd.s32 v8, v4  }
0x21f: {  	[tilespmem:s21+$0x3100] =	vst v5;
	v4 =	vnsel vm0, $0x1, v4  }
0x220: {  	s4 =	simm.s32 $0x0;
	s26 =	simm.s32 $0x1100;
	s2 =	simm.s32 $0x1;
	[tilespmem:s21+$0x1100] =	vst v4  }
0x221: {  	[hbm4b:s25+s4] =	stream.linear.scatter [tilespmem:s26], [sflag:$0x1], $0x2000, $0x38;
	[tilespmem:$0x7100] =	vst v63  }
0x222: {  	_ =	swait.ge [sflag:s2], $0x2000  }
0x223: {  	s28 =	sld [smem:$0x7FB]  }
0x224: {  	[sflag:s2] =	ssyncset.done $0x0  }
0x225: {  	s29 =	simm.s32 $0x3100;
	[sflag:s2] =	ssyncadd.s32 $0xFFFFE000  }
0x226: {  	[hbm4b:s28+s4] =	stream.linear.scatter [tilespmem:s29], [sflag:$0x1], $0x2000, $0x38;
	[tilespmem:$0x7100] =	vst v63  }
0x227: {  	_ =	swait.ge [sflag:s2], $0x2000  }
0x228: {  	s30 =	sld [smem:$0x7F8]  }
0x229: {  	s31 =	sld [smem:$0x7FC];
	_ =	sdelay $0x1  }
0x22a: {  	s1 =	sadd.s32 $0x1, s30  }
0x22b: {  	p0 =	sne.s32 s1, s31  }
.Ltmp8:
0x22c: {  	_ = 	snop;
	(pc) =	sbr.rel @p0 .LBB2_1-.Ltmp8, $3  }
0x22d: {  	_ =	sdelay $0x1  }
0x22e: {  	s11 =	simm.s32 $0x5100;
	[sflag:s2] =	ssyncset.done $0x0  }
0x22f: {  	s6 =	simm.s32 $0x880;
	s10 =	sld [smem:$0x7FD];
	[sflag:s2] =	ssyncadd.s32 $0xFFFFE000  }
0x230: {  	_ =	sfence.sel $0x180000  }
0x231: {  	[bflag:$0x0] =	sbarrier.arrive $0xFFFF  }
0x232: {  	_ =	strace $0x90000047  }
0x233: {  	s0 =	stileid.u32;
	[bflag:$0x2] =	sbarrier.arrive $0xFFFF  }
0x234: {  	p0 =	sne.s32 s0, $0x0;
	s0 =	rddreg [dreg:$0x2]  }
0x235: {  	s0 =	sadd.s32 @!p0 $0x100000, s0  }
0x236: {  	[sflag:s0] =	ssyncadd.tile.s32 @!p0 $0x1;
	_ =	shalt  }
.Lfunc_end2:
_tile_overlayer_lowered:
.L_overlay_start_2:
0x237: {  	(tag) =	ssettag $0x2  }
0x238: {  	s0 =	rddreg [dreg:$0x0];
	s2 =	stileid.u32  }
0x239: {  	s1 =	rddreg [dreg:$0x1];
	p0 =	sne.s32 s2, $0x0  }
0x23a: {  	s3 =	rddreg [dreg:$0x2];
	[bflag:$0x3] =	sbarrier.arrive $0xFFFF;
	s2 =	simm.s32 @!p0 $0x1C01  }
0x23b: {  	[timem:s3], [sflag:s2] =	dma.local @!p0 [hbm:s0], s1  }
0x23c: {  	s0 =	simm.s32 @!p0 $0x1  }
0x23d: {  	_ =	swait.ge @!p0 [sflag:s0], s1  }
0x23e: {  	s1 =	ssub.s32 @!p0 $0x0, s1;
	[sflag:s0] =	ssyncset.done @!p0 $0x0  }
0x23f: {  	[sflag:s0] =	ssyncadd.s32 @!p0 s1  }
0x240: {  	[bflag:$0x3] =	sbarrier.arrive $0xFFFF  }
0x241: {  	_ =	shalt  }

</sc_bundles>
